<compile_context>
chip_gen: v7x
topology: tpu7x:2x2x1
jax: 0.10.2.dev20260603
libtpu: 0.0.44.dev20260713+nightly
codegen_flags: <defaults>
</compile_context>

<pallas_src>
import math

import jax
import jax.numpy as jnp
from jax import lax
from jax.experimental import pallas as pl
from jax.experimental.pallas import tpu as pltpu
from jax.experimental.pallas import tpu_sc as plsc

S = 2048
D = 768
F = 2048
E = 7
TT = 256
TF = 512
NF = F // TF
NT = S // TT
GMAX = 14
PMAX = GMAX * TT
NEG = -1e30


def _gelu_exact(t):
    return t * 0.5 * (1.0 + jax.lax.erf(t * (1.0 / math.sqrt(2.0))))



def _gate_body(x_ref, wg_ref, bg_ref, eid_ref, w_ref):
    logits = jnp.dot(x_ref[...], wg_ref[...],
                     preferred_element_type=jnp.float32) + bg_ref[...]
    lane = lax.broadcasted_iota(jnp.int32, (S, 128), 1)
    valid = lane < E
    lm = jnp.where(valid, logits, NEG)
    m = jnp.max(lm, axis=1, keepdims=True)
    p = jnp.where(valid, jnp.exp(lm - m), 0.0)
    w = 1.0 / jnp.sum(p, axis=1, keepdims=True)
    mn = jnp.min(jnp.where(lm == m, lane, 127), axis=1, keepdims=True)
    eid_ref[...] = mn
    w_ref[...] = w


def _gate(x2, wg_p, bg_p):
    return pl.pallas_call(
        _gate_body,
        in_specs=[pl.BlockSpec((S, D), lambda: (0, 0)),
                  pl.BlockSpec((D, 128), lambda: (0, 0)),
                  pl.BlockSpec((1, 128), lambda: (0, 0))],
        out_specs=[pl.BlockSpec((S, 1), lambda: (0, 0)),
                   pl.BlockSpec((S, 1), lambda: (0, 0))],
        out_shape=[jax.ShapeDtypeStruct((S, 1), jnp.int32),
                   jax.ShapeDtypeStruct((S, 1), jnp.float32)],
    )(x2, wg_p, bg_p)



def _route_body(eid_hbm, wgt_hbm,
                scat_hbm, ws_hbm, te_hbm,
                eid_v, wgt_v, scat_v, ws_v, te_v):
    sid = lax.axis_index("s")
    cid = lax.axis_index("c")

    @pl.when((sid == 0) & (cid == 0))
    def _meta():
        pltpu.sync_copy(eid_hbm, eid_v)
        pltpu.sync_copy(wgt_hbm, wgt_v)

        def cnt_body(i, cs):
            ev = eid_v[pl.ds(i * 16, 16)]
            return tuple(c + jnp.sum(jnp.where(ev == e, 1, 0))
                         for e, c in enumerate(cs))
        z = jnp.int32(0)
        counts = lax.fori_loop(0, S // 16, cnt_body, (z,) * E)

        bases = [z]
        for e in range(1, E):
            pc = ((counts[e - 1] + (TT - 1)) >> 8) << 8
            bases.append(bases[e - 1] + pc)

        g_iota = lax.iota(jnp.int32, 16)
        te = jnp.zeros((16,), jnp.int32)
        for e in range(1, E):
            te = te + jnp.where(g_iota >= (bases[e] >> 8), 1, 0)
        te_v[...] = te

        def init_body(j, _):
            sl = pl.ds(j * 16, 16)
            scat_v[sl] = jnp.full((16,), S, jnp.int32)
            ws_v[sl] = jnp.zeros((16,), jnp.float32)
            return 0
        lax.fori_loop(0, PMAX // 16, init_body, 0)

        def pos_body(i, wps):
            sl = pl.ds(i * 16, 16)
            ev = eid_v[sl]
            wv = wgt_v[sl]
            tok = lax.iota(jnp.int32, 16) + i * 16
            pos = jnp.zeros((16,), jnp.int32)
            new_wps = []
            for e in range(E):
                mk = ev == e
                mi = jnp.where(mk, 1, 0)
                cs = plsc.cumsum(mi)
                pos = pos + jnp.where(mk, wps[e] + cs - mi, 0)
                new_wps.append(wps[e] + jnp.sum(mi))
            plsc.store_scatter(scat_v, [pos], tok)
            plsc.store_scatter(ws_v, [pos], wv)
            return tuple(new_wps)
        lax.fori_loop(0, S // 16, pos_body, tuple(bases))

        pltpu.sync_copy(scat_v, scat_hbm)
        pltpu.sync_copy(ws_v, ws_hbm)
        pltpu.sync_copy(te_v, te_hbm)


def _route(eid, wgt):
    mesh = plsc.VectorSubcoreMesh(core_axis_name="c", subcore_axis_name="s")
    f = pl.kernel(
        _route_body,
        out_type=[jax.ShapeDtypeStruct((PMAX,), jnp.int32),
                  jax.ShapeDtypeStruct((PMAX,), jnp.float32),
                  jax.ShapeDtypeStruct((16,), jnp.int32)],
        mesh=mesh,
        scratch_types=[pltpu.VMEM((S,), jnp.int32),
                       pltpu.VMEM((S,), jnp.float32),
                       pltpu.VMEM((PMAX,), jnp.int32),
                       pltpu.VMEM((PMAX,), jnp.float32),
                       pltpu.VMEM((16,), jnp.int32)],
        compiler_params=pltpu.CompilerParams(needs_layout_passes=False),
    )
    return f(eid, wgt)



def _shared_body(x_ref, w1_ref, b1_ref, w2_ref, b2_ref, base_ref, acc_ref):
    f = pl.program_id(0)
    t = pl.program_id(1)
    rows = pl.ds(t * TT, TT)
    xt = x_ref[rows, :]
    h = jnp.dot(xt.astype(jnp.bfloat16), w1_ref[...].astype(jnp.bfloat16),
                preferred_element_type=jnp.float32) + b1_ref[...]
    h = _gelu_exact(h).astype(jnp.bfloat16)
    y = jnp.dot(h, w2_ref[...].astype(jnp.bfloat16),
                preferred_element_type=jnp.float32)
    y = jnp.where(f == 0, y + b2_ref[...], y)

    @pl.when(f == 0)
    def _init():
        acc_ref[rows, :] = y

    @pl.when(f != 0)
    def _acc():
        acc_ref[rows, :] += y

    @pl.when(f == NF - 1)
    def _fin():
        base_ref[rows, :] = acc_ref[rows, :] + xt


def _shared(x2, W1_sh, b1_sh, W2_sh, b2_sh):
    return pl.pallas_call(
        _shared_body,
        grid=(NF, NT),
        in_specs=[pl.BlockSpec((S, D), lambda f, t: (0, 0)),
                  pl.BlockSpec((D, TF), lambda f, t: (0, f)),
                  pl.BlockSpec((1, TF), lambda f, t: (0, f)),
                  pl.BlockSpec((TF, D), lambda f, t: (f, 0)),
                  pl.BlockSpec((1, D), lambda f, t: (0, 0))],
        out_specs=pl.BlockSpec((S, D), lambda f, t: (0, 0)),
        out_shape=jax.ShapeDtypeStruct((S, D), jnp.float32),
        scratch_shapes=[pltpu.VMEM((S, D), jnp.float32)],
        compiler_params=pltpu.CompilerParams(
            dimension_semantics=("arbitrary", "arbitrary")),
    )(x2, W1_sh, b1_sh, W2_sh, b2_sh)



def _group_body(te_ref, scat_ref, x_ref, ws_ref, w1r_ref, b1r_ref, w2r_ref,
                b2r_ref, ys_ref, acc_ref, xb_ref, xg_ref):
    f = pl.program_id(0)
    g = pl.program_id(1)
    rows = pl.ds(g * TT, TT)

    @pl.when((f == 0) & (g == 0))
    def _cast_x():
        xb_ref[...] = x_ref[...].astype(jnp.bfloat16)

    @pl.when(f == 0)
    def _gather():
        lanes = lax.broadcasted_iota(jnp.int32, (TT, S), 1)
        oh = (scat_ref[rows, :] == lanes).astype(jnp.bfloat16)
        xg_ref[rows, :] = jnp.dot(oh, xb_ref[...],
                                  preferred_element_type=jnp.float32
                                  ).astype(jnp.bfloat16)

    xt = xg_ref[rows, :]
    h = jnp.dot(xt, w1r_ref[0].astype(jnp.bfloat16),
                preferred_element_type=jnp.float32) + b1r_ref[0]
    h = _gelu_exact(h).astype(jnp.bfloat16)
    y = jnp.dot(h, w2r_ref[0].astype(jnp.bfloat16),
                preferred_element_type=jnp.float32)
    y = jnp.where(f == 0, y + b2r_ref[0], y)

    @pl.when(f == 0)
    def _init():
        acc_ref[rows, :] = y

    @pl.when(f != 0)
    def _acc():
        acc_ref[rows, :] += y

    @pl.when(f == NF - 1)
    def _fin():
        ys_ref[rows, :] = (ws_ref[rows, :]
                           * acc_ref[rows, :]).astype(jnp.bfloat16)


def _grouped(te, scat_col, x2, ws2, W1_r, b1_r, W2_r, b2_r):
    grid_spec = pltpu.PrefetchScalarGridSpec(
        num_scalar_prefetch=1,
        grid=(NF, GMAX),
        in_specs=[pl.BlockSpec((PMAX, 1), lambda f, g, te: (0, 0)),
                  pl.BlockSpec((S, D), lambda f, g, te: (0, 0)),
                  pl.BlockSpec((PMAX, 1), lambda f, g, te: (0, 0)),
                  pl.BlockSpec((1, D, TF), lambda f, g, te: (te[g], 0, f)),
                  pl.BlockSpec((1, 1, TF), lambda f, g, te: (te[g], 0, f)),
                  pl.BlockSpec((1, TF, D), lambda f, g, te: (te[g], f, 0)),
                  pl.BlockSpec((1, 1, D), lambda f, g, te: (te[g], 0, 0))],
        out_specs=pl.BlockSpec((PMAX, D), lambda f, g, te: (0, 0)),
        scratch_shapes=[pltpu.VMEM((PMAX, D), jnp.float32),
                        pltpu.VMEM((S, D), jnp.bfloat16),
                        pltpu.VMEM((PMAX, D), jnp.bfloat16)],
    )
    return pl.pallas_call(
        _group_body,
        grid_spec=grid_spec,
        out_shape=jax.ShapeDtypeStruct((PMAX, D), jnp.bfloat16),
        compiler_params=pltpu.CompilerParams(
            dimension_semantics=("arbitrary", "arbitrary")),
    )(te, scat_col, x2, ws2, W1_r, b1_r.reshape(E, 1, F), W2_r,
      b2_r.reshape(E, 1, D))



def _unsort_body(scat_ref, ys_ref, base_ref, out_ref):
    t = pl.program_id(0)
    tio = lax.broadcasted_iota(jnp.int32, (TT, 1), 0) + t * TT
    acc = base_ref[...]
    for s in range(GMAX):
        oh = (scat_ref[:, pl.ds(s * TT, TT)] == tio).astype(jnp.bfloat16)
        acc += jnp.dot(oh, ys_ref[pl.ds(s * TT, TT), :],
                       preferred_element_type=jnp.float32)
    out_ref[...] = acc


def _combine(scat_row, ys, base):
    return pl.pallas_call(
        _unsort_body,
        grid=(NT,),
        in_specs=[pl.BlockSpec((1, PMAX), lambda t: (0, 0)),
                  pl.BlockSpec((PMAX, D), lambda t: (0, 0)),
                  pl.BlockSpec((TT, D), lambda t: (t, 0))],
        out_specs=pl.BlockSpec((TT, D), lambda t: (t, 0)),
        out_shape=jax.ShapeDtypeStruct((S, D), jnp.float32),
        compiler_params=pltpu.CompilerParams(
            dimension_semantics=("arbitrary",)),
    )(scat_row, ys, base)


def kernel(x, Wg, bg, W1_sh, b1_sh, W2_sh, b2_sh, W1_r, b1_r, W2_r, b2_r):
    B = x.shape[0]
    x2 = x.reshape(S, D)
    wg_p = jnp.zeros((D, 128), jnp.float32).at[:, :E].set(Wg)
    bg_p = jnp.zeros((1, 128), jnp.float32).at[0, :E].set(bg)

    eid2, wgt2 = _gate(x2, wg_p, bg_p)
    scat, ws, te = _route(eid2.reshape(S), wgt2.reshape(S))
    base = _shared(x2, W1_sh, b1_sh.reshape(1, F), W2_sh, b2_sh.reshape(1, D))
    ys = _grouped(te, scat.reshape(PMAX, 1), x2, ws.reshape(PMAX, 1),
                  W1_r, b1_r, W2_r, b2_r)
    out = _combine(scat.reshape(1, PMAX), ys, base)
    return out.reshape(B, S, D)

# --- scband reference (transcript-rebuilt; emitter-appended) ---
"""Pipeline reference for scband-mo-e-69363721830917 (READ-ONLY COPY).

The authoritative reference and input builder live on the scoring server;
editing this copy changes nothing except your own understanding.
"""

import jax, jax.numpy as jnp
import numpy as np

B, S, D_MODEL = 1, 2048, 768
D_FF = 2048
N_ROUTER = 7  # num_router_experts*num_m - num_share_experts = 8*1 - 1
ROUTER_K = 1  # num_m*num_k - num_share_experts = 1*2 - 1
D_FF_R = D_FF // 1  # d_ff // num_m


def setup_inputs(seed: int = 0) -> dict:
    key = jax.random.key(seed)
    ks = jax.random.split(key, 12)
    s = 0.02
    x = jax.random.normal(ks[0], (B, S, D_MODEL), dtype=jnp.float32)
    Wg = s * jax.random.normal(ks[1], (D_MODEL, N_ROUTER), dtype=jnp.float32)
    bg = jnp.zeros((N_ROUTER,), dtype=jnp.float32)
    W1_sh = s * jax.random.normal(ks[2], (D_MODEL, D_FF), dtype=jnp.float32)
    b1_sh = jnp.zeros((D_FF,), dtype=jnp.float32)
    W2_sh = s * jax.random.normal(ks[3], (D_FF, D_MODEL), dtype=jnp.float32)
    b2_sh = jnp.zeros((D_MODEL,), dtype=jnp.float32)
    W1_r = s * jax.random.normal(ks[4], (N_ROUTER, D_MODEL, D_FF_R), dtype=jnp.float32)
    b1_r = jnp.zeros((N_ROUTER, D_FF_R), dtype=jnp.float32)
    W2_r = s * jax.random.normal(ks[5], (N_ROUTER, D_FF_R, D_MODEL), dtype=jnp.float32)
    b2_r = jnp.zeros((N_ROUTER, D_MODEL), dtype=jnp.float32)
    return {"x": x, "Wg": Wg, "bg": bg,
            "W1_sh": W1_sh, "b1_sh": b1_sh, "W2_sh": W2_sh, "b2_sh": b2_sh,
            "W1_r": W1_r, "b1_r": b1_r, "W2_r": W2_r, "b2_r": b2_r}


def _gelu(t):
    # torch.nn.GELU default = exact erf formulation
    return jax.nn.gelu(t, approximate=False)


def reference(x, Wg, bg, W1_sh, b1_sh, W2_sh, b2_sh, W1_r, b1_r, W2_r, b2_r):
    # Gating: softmax over experts, top-k sparsification via scatter
    logits = x @ Wg + bg                       # [B,S,E]
    weights = jax.nn.softmax(logits, axis=-1)  # [B,S,E]
    vals, idx = jax.lax.top_k(weights, ROUTER_K)
    gated = jnp.sum(jax.nn.one_hot(idx, N_ROUTER, dtype=weights.dtype) * vals[..., None], axis=-2)  # [B,S,E]
    router_weights = jnp.transpose(gated, (2, 0, 1))  # [E,B,S]

    # Shared expert (num_share_experts = 1)
    shared_enc = _gelu(x @ W1_sh + b1_sh) @ W2_sh + b2_sh  # [B,S,D]

    # Router experts: dense compute over all experts, weighted sum
    h = _gelu(jnp.einsum('bsd,edf->ebsf', x, W1_r) + b1_r[:, None, None, :])  # [E,B,S,F]
    out = jnp.einsum('ebsf,efd->ebsd', h, W2_r) + b2_r[:, None, None, :]       # [E,B,S,D]
    router_enc = jnp.sum(out * router_weights[..., None], axis=0)              # [B,S,D]

    final_enc = shared_enc + router_enc + x
    return final_enc

if __name__ == "__main__":
    import jax
    _d = setup_inputs()
    print(jax.jit(kernel)(*tuple(_d.values())))

</pallas_src>

<mosaic_0001>
#map = affine_map<(d0, d1) -> (0)>
module attributes {stable_mosaic.version = 14 : i64} {
  func.func @_route_body(%arg0: i32, %arg1: i32, %arg2: memref<2048xi32, #tpu.memory_space<hbm>>, %arg3: memref<2048xf32, #tpu.memory_space<hbm>>, %arg4: memref<3584xi32, #tpu.memory_space<hbm>>, %arg5: memref<3584xf32, #tpu.memory_space<hbm>>, %arg6: memref<16xi32, #tpu.memory_space<hbm>>, %arg7: memref<2048xi32, #tpu.memory_space<vmem>>, %arg8: memref<2048xf32, #tpu.memory_space<vmem>>, %arg9: memref<3584xi32, #tpu.memory_space<vmem>>, %arg10: memref<3584xf32, #tpu.memory_space<vmem>>, %arg11: memref<16xi32, #tpu.memory_space<vmem>>) attributes {dimension_semantics = [#tpu.dimension_semantics<core_parallel>, #tpu.dimension_semantics<subcore_parallel>], iteration_bounds = array<i64: 2, 16>, scalar_prefetch = 0 : i64, scratch_operands = 5 : i64, tpu.core_type = #tpu.core_type<sc_vector_subcore>, window_params = [{transform_indices = #map}, {transform_indices = #map}, {transform_indices = #map}, {transform_indices = #map}, {transform_indices = #map}]} {
    %eq3A = arith.constant 0 : i32
    %eq3A_0 = arith.cmpi eq, %arg1, %eq3A : i32
    %eq3A_1 = arith.constant 0 : i32
    %eq3A_2 = arith.cmpi eq, %arg0, %eq3A_1 : i32
    %and3A = arith.andi %eq3A_0, %eq3A_2 : i1
    %convert_element_type3A = arith.extui %and3A : i1 to i32
    %cond3A = arith.constant 0 : i32
    %cond3A_3 = arith.cmpi ne, %convert_element_type3A, %cond3A : i32
    scf.if %cond3A_3 {
      "tpu.region"() ({
        %run_scoped3A = tpu.sem_alloc : memref<!tpu.dma_semaphore, #tpu.memory_space<semaphore_mem>>
        tpu.enqueue_dma source(%arg2 : memref<2048xi32, #tpu.memory_space<hbm>>) target(%arg7 : memref<2048xi32, #tpu.memory_space<vmem>>) target_semaphore(%run_scoped3A : memref<!tpu.dma_semaphore, #tpu.memory_space<semaphore_mem>>)
        tpu.wait_dma2 semaphore(%run_scoped3A : memref<!tpu.dma_semaphore, #tpu.memory_space<semaphore_mem>>) src(%arg2 : memref<2048xi32, #tpu.memory_space<hbm>>) dst(%arg7 : memref<2048xi32, #tpu.memory_space<vmem>>)
        tpu.yield
      }) : () -> ()
      "tpu.region"() ({
        %run_scoped3A = tpu.sem_alloc : memref<!tpu.dma_semaphore, #tpu.memory_space<semaphore_mem>>
        tpu.enqueue_dma source(%arg3 : memref<2048xf32, #tpu.memory_space<hbm>>) target(%arg8 : memref<2048xf32, #tpu.memory_space<vmem>>) target_semaphore(%run_scoped3A : memref<!tpu.dma_semaphore, #tpu.memory_space<semaphore_mem>>)
        tpu.wait_dma2 semaphore(%run_scoped3A : memref<!tpu.dma_semaphore, #tpu.memory_space<semaphore_mem>>) src(%arg3 : memref<2048xf32, #tpu.memory_space<hbm>>) dst(%arg8 : memref<2048xf32, #tpu.memory_space<vmem>>)
        tpu.yield
      }) : () -> ()
      %scan3A = arith.constant 0 : i32
      %scan3A_4 = arith.constant 0 : i32
      %scan3A_5 = arith.constant 0 : i32
      %scan3A_6 = arith.constant 0 : i32
      %scan3A_7 = arith.constant 0 : i32
      %scan3A_8 = arith.constant 0 : i32
      %scan3A_9 = arith.constant 0 : i32
      %scan3A_10 = arith.constant 0 : i32
      %scan3A_11 = arith.constant 128 : i32
      %scan3A_12 = arith.addi %scan3A_10, %scan3A_11 : i32
      %scan3A_13 = arith.constant 1 : i32
      %scan3A_14:7 = scf.for %scan3A_129 = %scan3A_10 to %scan3A_12 step %scan3A_13 iter_args(%scan3A_130 = %scan3A, %scan3A_131 = %scan3A_4, %scan3A_132 = %scan3A_5, %scan3A_133 = %scan3A_6, %scan3A_134 = %scan3A_7, %scan3A_135 = %scan3A_8, %scan3A_136 = %scan3A_9) -> (i32, i32, i32, i32, i32, i32, i32)  : i32 {
        %mul3A = arith.constant 16 : i32
        %mul3A_137 = arith.muli %scan3A_129, %mul3A : i32
        %get3A = arith.index_cast %mul3A_137 : i32 to index
        %get3A_138 = tpu.vector_load %arg7[%get3A] {strides = array<i32>} : memref<2048xi32, #tpu.memory_space<vmem>>, vector<16xi32>,
        %eq3A_139 = arith.constant 0 : i32
        %eq3A_140 = vector.broadcast %eq3A_139 : i32 to vector<16xi32>
        %eq3A_141 = arith.cmpi eq, %get3A_138, %eq3A_140 : vector<16xi32>
        %jit3A_142 = arith.constant 1 : i32
        %jit3A_143 = arith.constant 0 : i32
        %broadcast_in_dim3A_144 = vector.broadcast %jit3A_142 : i32 to vector<16xi32>
        %broadcast_in_dim3A_145 = vector.broadcast %jit3A_143 : i32 to vector<16xi32>
        %select_n3A_146 = arith.select %eq3A_141, %broadcast_in_dim3A_144, %broadcast_in_dim3A_145 : vector<16xi1>, vector<16xi32>
        %reduce_sum3A = arith.constant true
        %reduce_sum3A_147 = vector.broadcast %reduce_sum3A : i1 to vector<16xi1>
        %reduce_sum3A_148 = tpu.scan <sum>, %select_n3A_146 masked %reduce_sum3A_147 : vector<16xi32>, vector<16xi1> -> vector<16xi32>
        %reduce_sum3A_149 = vector.extract %reduce_sum3A_148[15] : i32 from vector<16xi32>
        %add3A_150 = arith.addi %scan3A_130, %reduce_sum3A_149 : i32
        %eq3A_151 = arith.constant 1 : i32
        %eq3A_152 = vector.broadcast %eq3A_151 : i32 to vector<16xi32>
        %eq3A_153 = arith.cmpi eq, %get3A_138, %eq3A_152 : vector<16xi32>
        %jit3A_154 = arith.constant 1 : i32
        %jit3A_155 = arith.constant 0 : i32
        %broadcast_in_dim3A_156 = vector.broadcast %jit3A_154 : i32 to vector<16xi32>
        %broadcast_in_dim3A_157 = vector.broadcast %jit3A_155 : i32 to vector<16xi32>
        %select_n3A_158 = arith.select %eq3A_153, %broadcast_in_dim3A_156, %broadcast_in_dim3A_157 : vector<16xi1>, vector<16xi32>
        %reduce_sum3A_159 = arith.constant true
        %reduce_sum3A_160 = vector.broadcast %reduce_sum3A_159 : i1 to vector<16xi1>
        %reduce_sum3A_161 = tpu.scan <sum>, %select_n3A_158 masked %reduce_sum3A_160 : vector<16xi32>, vector<16xi1> -> vector<16xi32>
        %reduce_sum3A_162 = vector.extract %reduce_sum3A_161[15] : i32 from vector<16xi32>
        %add3A_163 = arith.addi %scan3A_131, %reduce_sum3A_162 : i32
        %eq3A_164 = arith.constant 2 : i32
        %eq3A_165 = vector.broadcast %eq3A_164 : i32 to vector<16xi32>
        %eq3A_166 = arith.cmpi eq, %get3A_138, %eq3A_165 : vector<16xi32>
        %jit3A_167 = arith.constant 1 : i32
        %jit3A_168 = arith.constant 0 : i32
        %broadcast_in_dim3A_169 = vector.broadcast %jit3A_167 : i32 to vector<16xi32>
        %broadcast_in_dim3A_170 = vector.broadcast %jit3A_168 : i32 to vector<16xi32>
        %select_n3A_171 = arith.select %eq3A_166, %broadcast_in_dim3A_169, %broadcast_in_dim3A_170 : vector<16xi1>, vector<16xi32>
        %reduce_sum3A_172 = arith.constant true
        %reduce_sum3A_173 = vector.broadcast %reduce_sum3A_172 : i1 to vector<16xi1>
        %reduce_sum3A_174 = tpu.scan <sum>, %select_n3A_171 masked %reduce_sum3A_173 : vector<16xi32>, vector<16xi1> -> vector<16xi32>
        %reduce_sum3A_175 = vector.extract %reduce_sum3A_174[15] : i32 from vector<16xi32>
        %add3A_176 = arith.addi %scan3A_132, %reduce_sum3A_175 : i32
        %eq3A_177 = arith.constant 3 : i32
        %eq3A_178 = vector.broadcast %eq3A_177 : i32 to vector<16xi32>
        %eq3A_179 = arith.cmpi eq, %get3A_138, %eq3A_178 : vector<16xi32>
        %jit3A_180 = arith.constant 1 : i32
        %jit3A_181 = arith.constant 0 : i32
        %broadcast_in_dim3A_182 = vector.broadcast %jit3A_180 : i32 to vector<16xi32>
        %broadcast_in_dim3A_183 = vector.broadcast %jit3A_181 : i32 to vector<16xi32>
        %select_n3A_184 = arith.select %eq3A_179, %broadcast_in_dim3A_182, %broadcast_in_dim3A_183 : vector<16xi1>, vector<16xi32>
        %reduce_sum3A_185 = arith.constant true
        %reduce_sum3A_186 = vector.broadcast %reduce_sum3A_185 : i1 to vector<16xi1>
        %reduce_sum3A_187 = tpu.scan <sum>, %select_n3A_184 masked %reduce_sum3A_186 : vector<16xi32>, vector<16xi1> -> vector<16xi32>
        %reduce_sum3A_188 = vector.extract %reduce_sum3A_187[15] : i32 from vector<16xi32>
        %add3A_189 = arith.addi %scan3A_133, %reduce_sum3A_188 : i32
        %eq3A_190 = arith.constant 4 : i32
        %eq3A_191 = vector.broadcast %eq3A_190 : i32 to vector<16xi32>
        %eq3A_192 = arith.cmpi eq, %get3A_138, %eq3A_191 : vector<16xi32>
        %jit3A_193 = arith.constant 1 : i32
        %jit3A_194 = arith.constant 0 : i32
        %broadcast_in_dim3A_195 = vector.broadcast %jit3A_193 : i32 to vector<16xi32>
        %broadcast_in_dim3A_196 = vector.broadcast %jit3A_194 : i32 to vector<16xi32>
        %select_n3A_197 = arith.select %eq3A_192, %broadcast_in_dim3A_195, %broadcast_in_dim3A_196 : vector<16xi1>, vector<16xi32>
        %reduce_sum3A_198 = arith.constant true
        %reduce_sum3A_199 = vector.broadcast %reduce_sum3A_198 : i1 to vector<16xi1>
        %reduce_sum3A_200 = tpu.scan <sum>, %select_n3A_197 masked %reduce_sum3A_199 : vector<16xi32>, vector<16xi1> -> vector<16xi32>
        %reduce_sum3A_201 = vector.extract %reduce_sum3A_200[15] : i32 from vector<16xi32>
        %add3A_202 = arith.addi %scan3A_134, %reduce_sum3A_201 : i32
        %eq3A_203 = arith.constant 5 : i32
        %eq3A_204 = vector.broadcast %eq3A_203 : i32 to vector<16xi32>
        %eq3A_205 = arith.cmpi eq, %get3A_138, %eq3A_204 : vector<16xi32>
        %jit3A_206 = arith.constant 1 : i32
        %jit3A_207 = arith.constant 0 : i32
        %broadcast_in_dim3A_208 = vector.broadcast %jit3A_206 : i32 to vector<16xi32>
        %broadcast_in_dim3A_209 = vector.broadcast %jit3A_207 : i32 to vector<16xi32>
        %select_n3A_210 = arith.select %eq3A_205, %broadcast_in_dim3A_208, %broadcast_in_dim3A_209 : vector<16xi1>, vector<16xi32>
        %reduce_sum3A_211 = arith.constant true
        %reduce_sum3A_212 = vector.broadcast %reduce_sum3A_211 : i1 to vector<16xi1>
        %reduce_sum3A_213 = tpu.scan <sum>, %select_n3A_210 masked %reduce_sum3A_212 : vector<16xi32>, vector<16xi1> -> vector<16xi32>
        %reduce_sum3A_214 = vector.extract %reduce_sum3A_213[15] : i32 from vector<16xi32>
        %add3A_215 = arith.addi %scan3A_135, %reduce_sum3A_214 : i32
        %eq3A_216 = arith.constant 6 : i32
        %eq3A_217 = vector.broadcast %eq3A_216 : i32 to vector<16xi32>
        %eq3A_218 = arith.cmpi eq, %get3A_138, %eq3A_217 : vector<16xi32>
        %jit3A_219 = arith.constant 1 : i32
        %jit3A_220 = arith.constant 0 : i32
        %broadcast_in_dim3A_221 = vector.broadcast %jit3A_219 : i32 to vector<16xi32>
        %broadcast_in_dim3A_222 = vector.broadcast %jit3A_220 : i32 to vector<16xi32>
        %select_n3A_223 = arith.select %eq3A_218, %broadcast_in_dim3A_221, %broadcast_in_dim3A_222 : vector<16xi1>, vector<16xi32>
        %reduce_sum3A_224 = arith.constant true
        %reduce_sum3A_225 = vector.broadcast %reduce_sum3A_224 : i1 to vector<16xi1>
        %reduce_sum3A_226 = tpu.scan <sum>, %select_n3A_223 masked %reduce_sum3A_225 : vector<16xi32>, vector<16xi1> -> vector<16xi32>
        %reduce_sum3A_227 = vector.extract %reduce_sum3A_226[15] : i32 from vector<16xi32>
        %add3A_228 = arith.addi %scan3A_136, %reduce_sum3A_227 : i32
        scf.yield %add3A_150, %add3A_163, %add3A_176, %add3A_189, %add3A_202, %add3A_215, %add3A_228 : i32, i32, i32, i32, i32, i32, i32
      }
      %scan3A_15 = arith.constant 128 : i32
      %add3A = arith.constant 255 : i32
      %add3A_16 = arith.addi %scan3A_14#0, %add3A : i32
      %shift_right_arithmetic3A = arith.constant 8 : i32
      %shift_right_arithmetic3A_17 = arith.shrsi %add3A_16, %shift_right_arithmetic3A : i32
      %shift_left3A = arith.constant 8 : i32
      %shift_left3A_18 = arith.shli %shift_right_arithmetic3A_17, %shift_left3A : i32
      %add3A_19 = arith.constant 0 : i32
      %add3A_20 = arith.addi %add3A_19, %shift_left3A_18 : i32
      %add3A_21 = arith.constant 255 : i32
      %add3A_22 = arith.addi %scan3A_14#1, %add3A_21 : i32
      %shift_right_arithmetic3A_23 = arith.constant 8 : i32
      %shift_right_arithmetic3A_24 = arith.shrsi %add3A_22, %shift_right_arithmetic3A_23 : i32
      %shift_left3A_25 = arith.constant 8 : i32
      %shift_left3A_26 = arith.shli %shift_right_arithmetic3A_24, %shift_left3A_25 : i32
      %add3A_27 = arith.addi %add3A_20, %shift_left3A_26 : i32
      %add3A_28 = arith.constant 255 : i32
      %add3A_29 = arith.addi %scan3A_14#2, %add3A_28 : i32
      %shift_right_arithmetic3A_30 = arith.constant 8 : i32
      %shift_right_arithmetic3A_31 = arith.shrsi %add3A_29, %shift_right_arithmetic3A_30 : i32
      %shift_left3A_32 = arith.constant 8 : i32
      %shift_left3A_33 = arith.shli %shift_right_arithmetic3A_31, %shift_left3A_32 : i32
      %add3A_34 = arith.addi %add3A_27, %shift_left3A_33 : i32
      %add3A_35 = arith.constant 255 : i32
      %add3A_36 = arith.addi %scan3A_14#3, %add3A_35 : i32
      %shift_right_arithmetic3A_37 = arith.constant 8 : i32
      %shift_right_arithmetic3A_38 = arith.shrsi %add3A_36, %shift_right_arithmetic3A_37 : i32
      %shift_left3A_39 = arith.constant 8 : i32
      %shift_left3A_40 = arith.shli %shift_right_arithmetic3A_38, %shift_left3A_39 : i32
      %add3A_41 = arith.addi %add3A_34, %shift_left3A_40 : i32
      %add3A_42 = arith.constant 255 : i32
      %add3A_43 = arith.addi %scan3A_14#4, %add3A_42 : i32
      %shift_right_arithmetic3A_44 = arith.constant 8 : i32
      %shift_right_arithmetic3A_45 = arith.shrsi %add3A_43, %shift_right_arithmetic3A_44 : i32
      %shift_left3A_46 = arith.constant 8 : i32
      %shift_left3A_47 = arith.shli %shift_right_arithmetic3A_45, %shift_left3A_46 : i32
      %add3A_48 = arith.addi %add3A_41, %shift_left3A_47 : i32
      %add3A_49 = arith.constant 255 : i32
      %add3A_50 = arith.addi %scan3A_14#5, %add3A_49 : i32
      %shift_right_arithmetic3A_51 = arith.constant 8 : i32
      %shift_right_arithmetic3A_52 = arith.shrsi %add3A_50, %shift_right_arithmetic3A_51 : i32
      %shift_left3A_53 = arith.constant 8 : i32
      %shift_left3A_54 = arith.shli %shift_right_arithmetic3A_52, %shift_left3A_53 : i32
      %add3A_55 = arith.addi %add3A_48, %shift_left3A_54 : i32
      %iota3A = tpu.iota {dimensions = array<i32: 0>} : vector<16xi32>
      %broadcast_in_dim3A = arith.constant 0 : i32
      %broadcast_in_dim3A_56 = vector.broadcast %broadcast_in_dim3A : i32 to vector<16xi32>
      %shift_right_arithmetic3A_57 = arith.constant 8 : i32
      %shift_right_arithmetic3A_58 = arith.shrsi %add3A_20, %shift_right_arithmetic3A_57 : i32
      %ge3A = vector.broadcast %shift_right_arithmetic3A_58 : i32 to vector<16xi32>
      %ge3A_59 = arith.cmpi sge, %iota3A, %ge3A : vector<16xi32>
      %jit3A = arith.constant 1 : i32
      %jit3A_60 = arith.constant 0 : i32
      %broadcast_in_dim3A_61 = vector.broadcast %jit3A : i32 to vector<16xi32>
      %broadcast_in_dim3A_62 = vector.broadcast %jit3A_60 : i32 to vector<16xi32>
      %select_n3A = arith.select %ge3A_59, %broadcast_in_dim3A_61, %broadcast_in_dim3A_62 : vector<16xi1>, vector<16xi32>
      %add3A_63 = arith.addi %broadcast_in_dim3A_56, %select_n3A : vector<16xi32>
      %shift_right_arithmetic3A_64 = arith.constant 8 : i32
      %shift_right_arithmetic3A_65 = arith.shrsi %add3A_27, %shift_right_arithmetic3A_64 : i32
      %ge3A_66 = vector.broadcast %shift_right_arithmetic3A_65 : i32 to vector<16xi32>
      %ge3A_67 = arith.cmpi sge, %iota3A, %ge3A_66 : vector<16xi32>
      %jit3A_68 = arith.constant 1 : i32
      %jit3A_69 = arith.constant 0 : i32
      %broadcast_in_dim3A_70 = vector.broadcast %jit3A_68 : i32 to vector<16xi32>
      %broadcast_in_dim3A_71 = vector.broadcast %jit3A_69 : i32 to vector<16xi32>
      %select_n3A_72 = arith.select %ge3A_67, %broadcast_in_dim3A_70, %broadcast_in_dim3A_71 : vector<16xi1>, vector<16xi32>
      %add3A_73 = arith.addi %add3A_63, %select_n3A_72 : vector<16xi32>
      %shift_right_arithmetic3A_74 = arith.constant 8 : i32
      %shift_right_arithmetic3A_75 = arith.shrsi %add3A_34, %shift_right_arithmetic3A_74 : i32
      %ge3A_76 = vector.broadcast %shift_right_arithmetic3A_75 : i32 to vector<16xi32>
      %ge3A_77 = arith.cmpi sge, %iota3A, %ge3A_76 : vector<16xi32>
      %jit3A_78 = arith.constant 1 : i32
      %jit3A_79 = arith.constant 0 : i32
      %broadcast_in_dim3A_80 = vector.broadcast %jit3A_78 : i32 to vector<16xi32>
      %broadcast_in_dim3A_81 = vector.broadcast %jit3A_79 : i32 to vector<16xi32>
      %select_n3A_82 = arith.select %ge3A_77, %broadcast_in_dim3A_80, %broadcast_in_dim3A_81 : vector<16xi1>, vector<16xi32>
      %add3A_83 = arith.addi %add3A_73, %select_n3A_82 : vector<16xi32>
      %shift_right_arithmetic3A_84 = arith.constant 8 : i32
      %shift_right_arithmetic3A_85 = arith.shrsi %add3A_41, %shift_right_arithmetic3A_84 : i32
      %ge3A_86 = vector.broadcast %shift_right_arithmetic3A_85 : i32 to vector<16xi32>
      %ge3A_87 = arith.cmpi sge, %iota3A, %ge3A_86 : vector<16xi32>
      %jit3A_88 = arith.constant 1 : i32
      %jit3A_89 = arith.constant 0 : i32
      %broadcast_in_dim3A_90 = vector.broadcast %jit3A_88 : i32 to vector<16xi32>
      %broadcast_in_dim3A_91 = vector.broadcast %jit3A_89 : i32 to vector<16xi32>
      %select_n3A_92 = arith.select %ge3A_87, %broadcast_in_dim3A_90, %broadcast_in_dim3A_91 : vector<16xi1>, vector<16xi32>
      %add3A_93 = arith.addi %add3A_83, %select_n3A_92 : vector<16xi32>
      %shift_right_arithmetic3A_94 = arith.constant 8 : i32
      %shift_right_arithmetic3A_95 = arith.shrsi %add3A_48, %shift_right_arithmetic3A_94 : i32
      %ge3A_96 = vector.broadcast %shift_right_arithmetic3A_95 : i32 to vector<16xi32>
      %ge3A_97 = arith.cmpi sge, %iota3A, %ge3A_96 : vector<16xi32>
      %jit3A_98 = arith.constant 1 : i32
      %jit3A_99 = arith.constant 0 : i32
      %broadcast_in_dim3A_100 = vector.broadcast %jit3A_98 : i32 to vector<16xi32>
      %broadcast_in_dim3A_101 = vector.broadcast %jit3A_99 : i32 to vector<16xi32>
      %select_n3A_102 = arith.select %ge3A_97, %broadcast_in_dim3A_100, %broadcast_in_dim3A_101 : vector<16xi1>, vector<16xi32>
      %add3A_103 = arith.addi %add3A_93, %select_n3A_102 : vector<16xi32>
      %shift_right_arithmetic3A_104 = arith.constant 8 : i32
      %shift_right_arithmetic3A_105 = arith.shrsi %add3A_55, %shift_right_arithmetic3A_104 : i32
      %ge3A_106 = vector.broadcast %shift_right_arithmetic3A_105 : i32 to vector<16xi32>
      %ge3A_107 = arith.cmpi sge, %iota3A, %ge3A_106 : vector<16xi32>
      %jit3A_108 = arith.constant 1 : i32
      %jit3A_109 = arith.constant 0 : i32
      %broadcast_in_dim3A_110 = vector.broadcast %jit3A_108 : i32 to vector<16xi32>
      %broadcast_in_dim3A_111 = vector.broadcast %jit3A_109 : i32 to vector<16xi32>
      %select_n3A_112 = arith.select %ge3A_107, %broadcast_in_dim3A_110, %broadcast_in_dim3A_111 : vector<16xi1>, vector<16xi32>
      %add3A_113 = arith.addi %add3A_103, %select_n3A_112 : vector<16xi32>
      %swap3A = arith.constant 0 : index
      %swap3A_114 = tpu.vector_load %arg11[%swap3A] {strides = array<i32>} : memref<16xi32, #tpu.memory_space<vmem>>, vector<16xi32>,
      tpu.vector_store %arg11[%swap3A], %add3A_113 {strides = array<i32>} : memref<16xi32, #tpu.memory_space<vmem>>, vector<16xi32>,
      %scan3A_115 = arith.constant 0 : i32
      %scan3A_116 = arith.constant 0 : i32
      %scan3A_117 = arith.constant 224 : i32
      %scan3A_118 = arith.addi %scan3A_116, %scan3A_117 : i32
      %scan3A_119 = arith.constant 1 : i32
      %scan3A_120 = scf.for %scan3A_129 = %scan3A_116 to %scan3A_118 step %scan3A_119 iter_args(%scan3A_130 = %scan3A_115) -> (i32)  : i32 {
        %mul3A = arith.constant 16 : i32
        %mul3A_131 = arith.muli %scan3A_129, %mul3A : i32
        %broadcast_in_dim3A_132 = arith.constant 2048 : i32
        %broadcast_in_dim3A_133 = vector.broadcast %broadcast_in_dim3A_132 : i32 to vector<16xi32>
        %swap3A_134 = arith.index_cast %mul3A_131 : i32 to index
        %swap3A_135 = tpu.vector_load %arg9[%swap3A_134] {strides = array<i32>} : memref<3584xi32, #tpu.memory_space<vmem>>, vector<16xi32>,
        tpu.vector_store %arg9[%swap3A_134], %broadcast_in_dim3A_133 {strides = array<i32>} : memref<3584xi32, #tpu.memory_space<vmem>>, vector<16xi32>,
        %broadcast_in_dim3A_136 = arith.constant 0.000000e+00 : f32
        %broadcast_in_dim3A_137 = vector.broadcast %broadcast_in_dim3A_136 : f32 to vector<16xf32>
        %swap3A_138 = arith.index_cast %mul3A_131 : i32 to index
        %swap3A_139 = tpu.vector_load %arg10[%swap3A_138] {strides = array<i32>} : memref<3584xf32, #tpu.memory_space<vmem>>, vector<16xf32>,
        tpu.vector_store %arg10[%swap3A_138], %broadcast_in_dim3A_137 {strides = array<i32>} : memref<3584xf32, #tpu.memory_space<vmem>>, vector<16xf32>,
        %scan3A_140 = arith.constant 0 : i32
        scf.yield %scan3A_140 : i32
      }
      %scan3A_121 = arith.constant 224 : i32
      %scan3A_122 = arith.constant 0 : i32
      %scan3A_123 = arith.constant 0 : i32
      %scan3A_124 = arith.constant 128 : i32
      %scan3A_125 = arith.addi %scan3A_123, %scan3A_124 : i32
      %scan3A_126 = arith.constant 1 : i32
      %scan3A_127:7 = scf.for %scan3A_129 = %scan3A_123 to %scan3A_125 step %scan3A_126 iter_args(%scan3A_130 = %scan3A_122, %scan3A_131 = %add3A_20, %scan3A_132 = %add3A_27, %scan3A_133 = %add3A_34, %scan3A_134 = %add3A_41, %scan3A_135 = %add3A_48, %scan3A_136 = %add3A_55) -> (i32, i32, i32, i32, i32, i32, i32)  : i32 {
        %mul3A = arith.constant 16 : i32
        %mul3A_137 = arith.muli %scan3A_129, %mul3A : i32
        %get3A = arith.index_cast %mul3A_137 : i32 to index
        %get3A_138 = tpu.vector_load %arg7[%get3A] {strides = array<i32>} : memref<2048xi32, #tpu.memory_space<vmem>>, vector<16xi32>,
        %get3A_139 = arith.index_cast %mul3A_137 : i32 to index
        %get3A_140 = tpu.vector_load %arg8[%get3A_139] {strides = array<i32>} : memref<2048xf32, #tpu.memory_space<vmem>>, vector<16xf32>,
        %iota3A_141 = tpu.iota {dimensions = array<i32: 0>} : vector<16xi32>
        %mul3A_142 = arith.constant 16 : i32
        %mul3A_143 = arith.muli %scan3A_129, %mul3A_142 : i32
        %add3A_144 = vector.broadcast %mul3A_143 : i32 to vector<16xi32>
        %add3A_145 = arith.addi %iota3A_141, %add3A_144 : vector<16xi32>
        %broadcast_in_dim3A_146 = arith.constant 0 : i32
        %broadcast_in_dim3A_147 = vector.broadcast %broadcast_in_dim3A_146 : i32 to vector<16xi32>
        %eq3A_148 = arith.constant 0 : i32
        %eq3A_149 = vector.broadcast %eq3A_148 : i32 to vector<16xi32>
        %eq3A_150 = arith.cmpi eq, %get3A_138, %eq3A_149 : vector<16xi32>
        %jit3A_151 = arith.constant 1 : i32
        %jit3A_152 = arith.constant 0 : i32
        %broadcast_in_dim3A_153 = vector.broadcast %jit3A_151 : i32 to vector<16xi32>
        %broadcast_in_dim3A_154 = vector.broadcast %jit3A_152 : i32 to vector<16xi32>
        %select_n3A_155 = arith.select %eq3A_150, %broadcast_in_dim3A_153, %broadcast_in_dim3A_154 : vector<16xi1>, vector<16xi32>
        %broadcast_in_dim3A_156 = arith.constant true
        %broadcast_in_dim3A_157 = vector.broadcast %broadcast_in_dim3A_156 : i1 to vector<16xi1>
        %masked_cumsum3A = tpu.scan <sum>, %select_n3A_155 masked %broadcast_in_dim3A_157 : vector<16xi32>, vector<16xi1> -> vector<16xi32>
        %add3A_158 = vector.broadcast %scan3A_130 : i32 to vector<16xi32>
        %add3A_159 = arith.addi %add3A_158, %masked_cumsum3A : vector<16xi32>
        %sub3A = arith.subi %add3A_159, %select_n3A_155 : vector<16xi32>
        %jit3A_160 = arith.constant 0 : i32
        %broadcast_in_dim3A_161 = vector.broadcast %jit3A_160 : i32 to vector<16xi32>
        %select_n3A_162 = arith.select %eq3A_150, %sub3A, %broadcast_in_dim3A_161 : vector<16xi1>, vector<16xi32>
        %add3A_163 = arith.addi %broadcast_in_dim3A_147, %select_n3A_162 : vector<16xi32>
        %reduce_sum3A = arith.constant true
        %reduce_sum3A_164 = vector.broadcast %reduce_sum3A : i1 to vector<16xi1>
        %reduce_sum3A_165 = tpu.scan <sum>, %select_n3A_155 masked %reduce_sum3A_164 : vector<16xi32>, vector<16xi1> -> vector<16xi32>
        %reduce_sum3A_166 = vector.extract %reduce_sum3A_165[15] : i32 from vector<16xi32>
        %add3A_167 = arith.addi %scan3A_130, %reduce_sum3A_166 : i32
        %eq3A_168 = arith.constant 1 : i32
        %eq3A_169 = vector.broadcast %eq3A_168 : i32 to vector<16xi32>
        %eq3A_170 = arith.cmpi eq, %get3A_138, %eq3A_169 : vector<16xi32>
        %jit3A_171 = arith.constant 1 : i32
        %jit3A_172 = arith.constant 0 : i32
        %broadcast_in_dim3A_173 = vector.broadcast %jit3A_171 : i32 to vector<16xi32>
        %broadcast_in_dim3A_174 = vector.broadcast %jit3A_172 : i32 to vector<16xi32>
        %select_n3A_175 = arith.select %eq3A_170, %broadcast_in_dim3A_173, %broadcast_in_dim3A_174 : vector<16xi1>, vector<16xi32>
        %broadcast_in_dim3A_176 = arith.constant true
        %broadcast_in_dim3A_177 = vector.broadcast %broadcast_in_dim3A_176 : i1 to vector<16xi1>
        %masked_cumsum3A_178 = tpu.scan <sum>, %select_n3A_175 masked %broadcast_in_dim3A_177 : vector<16xi32>, vector<16xi1> -> vector<16xi32>
        %add3A_179 = vector.broadcast %scan3A_131 : i32 to vector<16xi32>
        %add3A_180 = arith.addi %add3A_179, %masked_cumsum3A_178 : vector<16xi32>
        %sub3A_181 = arith.subi %add3A_180, %select_n3A_175 : vector<16xi32>
        %jit3A_182 = arith.constant 0 : i32
        %broadcast_in_dim3A_183 = vector.broadcast %jit3A_182 : i32 to vector<16xi32>
        %select_n3A_184 = arith.select %eq3A_170, %sub3A_181, %broadcast_in_dim3A_183 : vector<16xi1>, vector<16xi32>
        %add3A_185 = arith.addi %add3A_163, %select_n3A_184 : vector<16xi32>
        %reduce_sum3A_186 = arith.constant true
        %reduce_sum3A_187 = vector.broadcast %reduce_sum3A_186 : i1 to vector<16xi1>
        %reduce_sum3A_188 = tpu.scan <sum>, %select_n3A_175 masked %reduce_sum3A_187 : vector<16xi32>, vector<16xi1> -> vector<16xi32>
        %reduce_sum3A_189 = vector.extract %reduce_sum3A_188[15] : i32 from vector<16xi32>
        %add3A_190 = arith.addi %scan3A_131, %reduce_sum3A_189 : i32
        %eq3A_191 = arith.constant 2 : i32
        %eq3A_192 = vector.broadcast %eq3A_191 : i32 to vector<16xi32>
        %eq3A_193 = arith.cmpi eq, %get3A_138, %eq3A_192 : vector<16xi32>
        %jit3A_194 = arith.constant 1 : i32
        %jit3A_195 = arith.constant 0 : i32
        %broadcast_in_dim3A_196 = vector.broadcast %jit3A_194 : i32 to vector<16xi32>
        %broadcast_in_dim3A_197 = vector.broadcast %jit3A_195 : i32 to vector<16xi32>
        %select_n3A_198 = arith.select %eq3A_193, %broadcast_in_dim3A_196, %broadcast_in_dim3A_197 : vector<16xi1>, vector<16xi32>
        %broadcast_in_dim3A_199 = arith.constant true
        %broadcast_in_dim3A_200 = vector.broadcast %broadcast_in_dim3A_199 : i1 to vector<16xi1>
        %masked_cumsum3A_201 = tpu.scan <sum>, %select_n3A_198 masked %broadcast_in_dim3A_200 : vector<16xi32>, vector<16xi1> -> vector<16xi32>
        %add3A_202 = vector.broadcast %scan3A_132 : i32 to vector<16xi32>
        %add3A_203 = arith.addi %add3A_202, %masked_cumsum3A_201 : vector<16xi32>
        %sub3A_204 = arith.subi %add3A_203, %select_n3A_198 : vector<16xi32>
        %jit3A_205 = arith.constant 0 : i32
        %broadcast_in_dim3A_206 = vector.broadcast %jit3A_205 : i32 to vector<16xi32>
        %select_n3A_207 = arith.select %eq3A_193, %sub3A_204, %broadcast_in_dim3A_206 : vector<16xi1>, vector<16xi32>
        %add3A_208 = arith.addi %add3A_185, %select_n3A_207 : vector<16xi32>
        %reduce_sum3A_209 = arith.constant true
        %reduce_sum3A_210 = vector.broadcast %reduce_sum3A_209 : i1 to vector<16xi1>
        %reduce_sum3A_211 = tpu.scan <sum>, %select_n3A_198 masked %reduce_sum3A_210 : vector<16xi32>, vector<16xi1> -> vector<16xi32>
        %reduce_sum3A_212 = vector.extract %reduce_sum3A_211[15] : i32 from vector<16xi32>
        %add3A_213 = arith.addi %scan3A_132, %reduce_sum3A_212 : i32
        %eq3A_214 = arith.constant 3 : i32
        %eq3A_215 = vector.broadcast %eq3A_214 : i32 to vector<16xi32>
        %eq3A_216 = arith.cmpi eq, %get3A_138, %eq3A_215 : vector<16xi32>
        %jit3A_217 = arith.constant 1 : i32
        %jit3A_218 = arith.constant 0 : i32
        %broadcast_in_dim3A_219 = vector.broadcast %jit3A_217 : i32 to vector<16xi32>
        %broadcast_in_dim3A_220 = vector.broadcast %jit3A_218 : i32 to vector<16xi32>
        %select_n3A_221 = arith.select %eq3A_216, %broadcast_in_dim3A_219, %broadcast_in_dim3A_220 : vector<16xi1>, vector<16xi32>
        %broadcast_in_dim3A_222 = arith.constant true
        %broadcast_in_dim3A_223 = vector.broadcast %broadcast_in_dim3A_222 : i1 to vector<16xi1>
        %masked_cumsum3A_224 = tpu.scan <sum>, %select_n3A_221 masked %broadcast_in_dim3A_223 : vector<16xi32>, vector<16xi1> -> vector<16xi32>
        %add3A_225 = vector.broadcast %scan3A_133 : i32 to vector<16xi32>
        %add3A_226 = arith.addi %add3A_225, %masked_cumsum3A_224 : vector<16xi32>
        %sub3A_227 = arith.subi %add3A_226, %select_n3A_221 : vector<16xi32>
        %jit3A_228 = arith.constant 0 : i32
        %broadcast_in_dim3A_229 = vector.broadcast %jit3A_228 : i32 to vector<16xi32>
        %select_n3A_230 = arith.select %eq3A_216, %sub3A_227, %broadcast_in_dim3A_229 : vector<16xi1>, vector<16xi32>
        %add3A_231 = arith.addi %add3A_208, %select_n3A_230 : vector<16xi32>
        %reduce_sum3A_232 = arith.constant true
        %reduce_sum3A_233 = vector.broadcast %reduce_sum3A_232 : i1 to vector<16xi1>
        %reduce_sum3A_234 = tpu.scan <sum>, %select_n3A_221 masked %reduce_sum3A_233 : vector<16xi32>, vector<16xi1> -> vector<16xi32>
        %reduce_sum3A_235 = vector.extract %reduce_sum3A_234[15] : i32 from vector<16xi32>
        %add3A_236 = arith.addi %scan3A_133, %reduce_sum3A_235 : i32
        %eq3A_237 = arith.constant 4 : i32
        %eq3A_238 = vector.broadcast %eq3A_237 : i32 to vector<16xi32>
        %eq3A_239 = arith.cmpi eq, %get3A_138, %eq3A_238 : vector<16xi32>
        %jit3A_240 = arith.constant 1 : i32
        %jit3A_241 = arith.constant 0 : i32
        %broadcast_in_dim3A_242 = vector.broadcast %jit3A_240 : i32 to vector<16xi32>
        %broadcast_in_dim3A_243 = vector.broadcast %jit3A_241 : i32 to vector<16xi32>
        %select_n3A_244 = arith.select %eq3A_239, %broadcast_in_dim3A_242, %broadcast_in_dim3A_243 : vector<16xi1>, vector<16xi32>
        %broadcast_in_dim3A_245 = arith.constant true
        %broadcast_in_dim3A_246 = vector.broadcast %broadcast_in_dim3A_245 : i1 to vector<16xi1>
        %masked_cumsum3A_247 = tpu.scan <sum>, %select_n3A_244 masked %broadcast_in_dim3A_246 : vector<16xi32>, vector<16xi1> -> vector<16xi32>
        %add3A_248 = vector.broadcast %scan3A_134 : i32 to vector<16xi32>
        %add3A_249 = arith.addi %add3A_248, %masked_cumsum3A_247 : vector<16xi32>
        %sub3A_250 = arith.subi %add3A_249, %select_n3A_244 : vector<16xi32>
        %jit3A_251 = arith.constant 0 : i32
        %broadcast_in_dim3A_252 = vector.broadcast %jit3A_251 : i32 to vector<16xi32>
        %select_n3A_253 = arith.select %eq3A_239, %sub3A_250, %broadcast_in_dim3A_252 : vector<16xi1>, vector<16xi32>
        %add3A_254 = arith.addi %add3A_231, %select_n3A_253 : vector<16xi32>
        %reduce_sum3A_255 = arith.constant true
        %reduce_sum3A_256 = vector.broadcast %reduce_sum3A_255 : i1 to vector<16xi1>
        %reduce_sum3A_257 = tpu.scan <sum>, %select_n3A_244 masked %reduce_sum3A_256 : vector<16xi32>, vector<16xi1> -> vector<16xi32>
        %reduce_sum3A_258 = vector.extract %reduce_sum3A_257[15] : i32 from vector<16xi32>
        %add3A_259 = arith.addi %scan3A_134, %reduce_sum3A_258 : i32
        %eq3A_260 = arith.constant 5 : i32
        %eq3A_261 = vector.broadcast %eq3A_260 : i32 to vector<16xi32>
        %eq3A_262 = arith.cmpi eq, %get3A_138, %eq3A_261 : vector<16xi32>
        %jit3A_263 = arith.constant 1 : i32
        %jit3A_264 = arith.constant 0 : i32
        %broadcast_in_dim3A_265 = vector.broadcast %jit3A_263 : i32 to vector<16xi32>
        %broadcast_in_dim3A_266 = vector.broadcast %jit3A_264 : i32 to vector<16xi32>
        %select_n3A_267 = arith.select %eq3A_262, %broadcast_in_dim3A_265, %broadcast_in_dim3A_266 : vector<16xi1>, vector<16xi32>
        %broadcast_in_dim3A_268 = arith.constant true
        %broadcast_in_dim3A_269 = vector.broadcast %broadcast_in_dim3A_268 : i1 to vector<16xi1>
        %masked_cumsum3A_270 = tpu.scan <sum>, %select_n3A_267 masked %broadcast_in_dim3A_269 : vector<16xi32>, vector<16xi1> -> vector<16xi32>
        %add3A_271 = vector.broadcast %scan3A_135 : i32 to vector<16xi32>
        %add3A_272 = arith.addi %add3A_271, %masked_cumsum3A_270 : vector<16xi32>
        %sub3A_273 = arith.subi %add3A_272, %select_n3A_267 : vector<16xi32>
        %jit3A_274 = arith.constant 0 : i32
        %broadcast_in_dim3A_275 = vector.broadcast %jit3A_274 : i32 to vector<16xi32>
        %select_n3A_276 = arith.select %eq3A_262, %sub3A_273, %broadcast_in_dim3A_275 : vector<16xi1>, vector<16xi32>
        %add3A_277 = arith.addi %add3A_254, %select_n3A_276 : vector<16xi32>
        %reduce_sum3A_278 = arith.constant true
        %reduce_sum3A_279 = vector.broadcast %reduce_sum3A_278 : i1 to vector<16xi1>
        %reduce_sum3A_280 = tpu.scan <sum>, %select_n3A_267 masked %reduce_sum3A_279 : vector<16xi32>, vector<16xi1> -> vector<16xi32>
        %reduce_sum3A_281 = vector.extract %reduce_sum3A_280[15] : i32 from vector<16xi32>
        %add3A_282 = arith.addi %scan3A_135, %reduce_sum3A_281 : i32
        %eq3A_283 = arith.constant 6 : i32
        %eq3A_284 = vector.broadcast %eq3A_283 : i32 to vector<16xi32>
        %eq3A_285 = arith.cmpi eq, %get3A_138, %eq3A_284 : vector<16xi32>
        %jit3A_286 = arith.constant 1 : i32
        %jit3A_287 = arith.constant 0 : i32
        %broadcast_in_dim3A_288 = vector.broadcast %jit3A_286 : i32 to vector<16xi32>
        %broadcast_in_dim3A_289 = vector.broadcast %jit3A_287 : i32 to vector<16xi32>
        %select_n3A_290 = arith.select %eq3A_285, %broadcast_in_dim3A_288, %broadcast_in_dim3A_289 : vector<16xi1>, vector<16xi32>
        %broadcast_in_dim3A_291 = arith.constant true
        %broadcast_in_dim3A_292 = vector.broadcast %broadcast_in_dim3A_291 : i1 to vector<16xi1>
        %masked_cumsum3A_293 = tpu.scan <sum>, %select_n3A_290 masked %broadcast_in_dim3A_292 : vector<16xi32>, vector<16xi1> -> vector<16xi32>
        %add3A_294 = vector.broadcast %scan3A_136 : i32 to vector<16xi32>
        %add3A_295 = arith.addi %add3A_294, %masked_cumsum3A_293 : vector<16xi32>
        %sub3A_296 = arith.subi %add3A_295, %select_n3A_290 : vector<16xi32>
        %jit3A_297 = arith.constant 0 : i32
        %broadcast_in_dim3A_298 = vector.broadcast %jit3A_297 : i32 to vector<16xi32>
        %select_n3A_299 = arith.select %eq3A_285, %sub3A_296, %broadcast_in_dim3A_298 : vector<16xi1>, vector<16xi32>
        %add3A_300 = arith.addi %add3A_277, %select_n3A_299 : vector<16xi32>
        %reduce_sum3A_301 = arith.constant true
        %reduce_sum3A_302 = vector.broadcast %reduce_sum3A_301 : i1 to vector<16xi1>
        %reduce_sum3A_303 = tpu.scan <sum>, %select_n3A_290 masked %reduce_sum3A_302 : vector<16xi32>, vector<16xi1> -> vector<16xi32>
        %reduce_sum3A_304 = vector.extract %reduce_sum3A_303[15] : i32 from vector<16xi32>
        %add3A_305 = arith.addi %scan3A_136, %reduce_sum3A_304 : i32
        tpu.vector_store_idx %arg9[%add3A_300], %add3A_145 : memref<3584xi32, #tpu.memory_space<vmem>>[vector<16xi32>], vector<16xi32>,
        tpu.vector_store_idx %arg10[%add3A_300], %get3A_140 : memref<3584xf32, #tpu.memory_space<vmem>>[vector<16xi32>], vector<16xf32>,
        scf.yield %add3A_167, %add3A_190, %add3A_213, %add3A_236, %add3A_259, %add3A_282, %add3A_305 : i32, i32, i32, i32, i32, i32, i32
      }
      %scan3A_128 = arith.constant 128 : i32
      "tpu.region"() ({
        %run_scoped3A = tpu.sem_alloc : memref<!tpu.dma_semaphore, #tpu.memory_space<semaphore_mem>>
        tpu.enqueue_dma source(%arg9 : memref<3584xi32, #tpu.memory_space<vmem>>) target(%arg4 : memref<3584xi32, #tpu.memory_space<hbm>>) target_semaphore(%run_scoped3A : memref<!tpu.dma_semaphore, #tpu.memory_space<semaphore_mem>>)
        tpu.wait_dma2 semaphore(%run_scoped3A : memref<!tpu.dma_semaphore, #tpu.memory_space<semaphore_mem>>) src(%arg9 : memref<3584xi32, #tpu.memory_space<vmem>>) dst(%arg4 : memref<3584xi32, #tpu.memory_space<hbm>>)
        tpu.yield
      }) : () -> ()
      "tpu.region"() ({
        %run_scoped3A = tpu.sem_alloc : memref<!tpu.dma_semaphore, #tpu.memory_space<semaphore_mem>>
        tpu.enqueue_dma source(%arg10 : memref<3584xf32, #tpu.memory_space<vmem>>) target(%arg5 : memref<3584xf32, #tpu.memory_space<hbm>>) target_semaphore(%run_scoped3A : memref<!tpu.dma_semaphore, #tpu.memory_space<semaphore_mem>>)
        tpu.wait_dma2 semaphore(%run_scoped3A : memref<!tpu.dma_semaphore, #tpu.memory_space<semaphore_mem>>) src(%arg10 : memref<3584xf32, #tpu.memory_space<vmem>>) dst(%arg5 : memref<3584xf32, #tpu.memory_space<hbm>>)
        tpu.yield
      }) : () -> ()
      "tpu.region"() ({
        %run_scoped3A = tpu.sem_alloc : memref<!tpu.dma_semaphore, #tpu.memory_space<semaphore_mem>>
        tpu.enqueue_dma source(%arg11 : memref<16xi32, #tpu.memory_space<vmem>>) target(%arg6 : memref<16xi32, #tpu.memory_space<hbm>>) target_semaphore(%run_scoped3A : memref<!tpu.dma_semaphore, #tpu.memory_space<semaphore_mem>>)
        tpu.wait_dma2 semaphore(%run_scoped3A : memref<!tpu.dma_semaphore, #tpu.memory_space<semaphore_mem>>) src(%arg11 : memref<16xi32, #tpu.memory_space<vmem>>) dst(%arg6 : memref<16xi32, #tpu.memory_space<hbm>>)
        tpu.yield
      }) : () -> ()
    } else {
    }
    return
  }
}

module attributes {stable_mosaic.version = 14 : i64} {
  func.func @_gate_body(%arg0: memref<2048x768xf32, #tpu.memory_space<vmem>>, %arg1: memref<768x128xf32, #tpu.memory_space<vmem>>, %arg2: memref<1x128xf32, #tpu.memory_space<vmem>>, %arg3: memref<2048x1xi32, #tpu.memory_space<vmem>>, %arg4: memref<2048x1xf32, #tpu.memory_space<vmem>>) attributes {dimension_semantics = [], scalar_prefetch = 0 : i64, scratch_operands = 0 : i64, tpu.core_type = #tpu.core_type<tc>} {
    %get3A = arith.constant 0 : index
    %get3A_0 = arith.constant 0 : index
    %get3A_1 = vector.load %arg0[%get3A, %get3A_0] : memref<2048x768xf32, #tpu.memory_space<vmem>>, vector<2048x768xf32>
    %get3A_2 = arith.constant 0 : index
    %get3A_3 = arith.constant 0 : index
    %get3A_4 = vector.load %arg1[%get3A_2, %get3A_3] : memref<768x128xf32, #tpu.memory_space<vmem>>, vector<768x128xf32>
    %dot_general3A = arith.constant dense<0.000000e+00> : vector<2048x128xf32>
    %dot_general3A_5 = tpu.matmul %get3A_1, %get3A_4, %dot_general3A {dimension_numbers = #tpu.dot_dimension_numbers<[1], [0], [0], [1], [0, 0, 1, 1], [], []>, transpose_lhs_hint = false} : vector<2048x768xf32>, vector<768x128xf32>, vector<2048x128xf32> -> vector<2048x128xf32>
    %get3A_6 = arith.constant 0 : index
    %get3A_7 = arith.constant 0 : index
    %get3A_8 = vector.load %arg2[%get3A_6, %get3A_7] : memref<1x128xf32, #tpu.memory_space<vmem>>, vector<1x128xf32>
    %add3A = vector.broadcast %get3A_8 : vector<1x128xf32> to vector<2048x128xf32>
    %add3A_9 = arith.addf %dot_general3A_5, %add3A : vector<2048x128xf32>
    %iota3A = tpu.iota {dimensions = array<i32: 1>} : vector<2048x128xi32>
    %lt3A = arith.constant 7 : i32
    %lt3A_10 = vector.broadcast %lt3A : i32 to vector<2048x128xi32>
    %lt3A_11 = arith.cmpi slt, %iota3A, %lt3A_10 : vector<2048x128xi32>
    %jit3A = arith.constant -1.000000e+30 : f32
    %broadcast_in_dim3A = vector.broadcast %jit3A : f32 to vector<2048x128xf32>
    %select_n3A = arith.select %lt3A_11, %add3A_9, %broadcast_in_dim3A : vector<2048x128xi1>, vector<2048x128xf32>
    %reduce_max3A = arith.constant dense<0xFF800000> : vector<2048xf32>
    %reduce_max3A_12 = vector.multi_reduction <maximumf>, %select_n3A, %reduce_max3A [1] : vector<2048x128xf32> to vector<2048xf32>
    %broadcast_in_dim3A_13 = vector.shape_cast %reduce_max3A_12 : vector<2048xf32> to vector<2048x1xf32>
    %sub3A = vector.broadcast %broadcast_in_dim3A_13 : vector<2048x1xf32> to vector<2048x128xf32>
    %sub3A_14 = arith.subf %select_n3A, %sub3A : vector<2048x128xf32>
    %exp3A = math.exp %sub3A_14 : vector<2048x128xf32>
    %jit3A_15 = arith.constant 0.000000e+00 : f32
    %broadcast_in_dim3A_16 = vector.broadcast %jit3A_15 : f32 to vector<2048x128xf32>
    %select_n3A_17 = arith.select %lt3A_11, %exp3A, %broadcast_in_dim3A_16 : vector<2048x128xi1>, vector<2048x128xf32>
    %reduce_sum3A = arith.constant dense<0.000000e+00> : vector<2048xf32>
    %reduce_sum3A_18 = vector.multi_reduction <add>, %select_n3A_17, %reduce_sum3A [1] : vector<2048x128xf32> to vector<2048xf32>
    %broadcast_in_dim3A_19 = vector.shape_cast %reduce_sum3A_18 : vector<2048xf32> to vector<2048x1xf32>
    %div3A = arith.constant 1.000000e+00 : f32
    %div3A_20 = vector.broadcast %div3A : f32 to vector<2048x1xf32>
    %div3A_21 = arith.divf %div3A_20, %broadcast_in_dim3A_19 : vector<2048x1xf32>
    %eq3A = vector.broadcast %broadcast_in_dim3A_13 : vector<2048x1xf32> to vector<2048x128xf32>
    %eq3A_22 = arith.cmpf oeq, %select_n3A, %eq3A : vector<2048x128xf32>
    %jit3A_23 = arith.constant 127 : i32
    %broadcast_in_dim3A_24 = vector.broadcast %jit3A_23 : i32 to vector<2048x128xi32>
    %select_n3A_25 = arith.select %eq3A_22, %iota3A, %broadcast_in_dim3A_24 : vector<2048x128xi1>, vector<2048x128xi32>
    %reduce_min3A = arith.constant dense<2147483647> : vector<2048xi32>
    %reduce_min3A_26 = vector.multi_reduction <minsi>, %select_n3A_25, %reduce_min3A [1] : vector<2048x128xi32> to vector<2048xi32>
    %broadcast_in_dim3A_27 = vector.shape_cast %reduce_min3A_26 : vector<2048xi32> to vector<2048x1xi32>
    %swap3A = arith.constant 0 : index
    %swap3A_28 = arith.constant 0 : index
    %swap3A_29 = vector.load %arg3[%swap3A, %swap3A_28] : memref<2048x1xi32, #tpu.memory_space<vmem>>, vector<2048x1xi32>
    tpu.vector_store %arg3[%swap3A, %swap3A_28], %broadcast_in_dim3A_27 {strides = array<i32>} : memref<2048x1xi32, #tpu.memory_space<vmem>>, vector<2048x1xi32>,
    %swap3A_30 = arith.constant 0 : index
    %swap3A_31 = arith.constant 0 : index
    %swap3A_32 = vector.load %arg4[%swap3A_30, %swap3A_31] : memref<2048x1xf32, #tpu.memory_space<vmem>>, vector<2048x1xf32>
    tpu.vector_store %arg4[%swap3A_30, %swap3A_31], %div3A_21 {strides = array<i32>} : memref<2048x1xf32, #tpu.memory_space<vmem>>, vector<2048x1xf32>,
    return
  }
}

module attributes {stable_mosaic.version = 14 : i64} {
  func.func @_shared_body(%arg0: i32, %arg1: i32, %arg2: memref<2048x768xf32, #tpu.memory_space<vmem>>, %arg3: memref<768x512xf32, #tpu.memory_space<vmem>>, %arg4: memref<1x512xf32, #tpu.memory_space<vmem>>, %arg5: memref<512x768xf32, #tpu.memory_space<vmem>>, %arg6: memref<1x768xf32, #tpu.memory_space<vmem>>, %arg7: memref<2048x768xf32, #tpu.memory_space<vmem>>, %arg8: memref<2048x768xf32, #tpu.memory_space<vmem>>) attributes {dimension_semantics = [#tpu.dimension_semantics<arbitrary>, #tpu.dimension_semantics<arbitrary>], iteration_bounds = array<i64: 4, 8>, scalar_prefetch = 0 : i64, scratch_operands = 1 : i64, tpu.core_type = #tpu.core_type<tc>, window_params = [{pipeline_mode = #tpu.pipeline_mode<synchronous>, transform_indices = @transform_0, window_bounds = array<i64: 2048, 768>}, {transform_indices = @transform_1, window_bounds = array<i64: 768, 512>}, {transform_indices = @transform_2, window_bounds = array<i64: 1, 512>}, {transform_indices = @transform_3, window_bounds = array<i64: 512, 768>}, {pipeline_mode = #tpu.pipeline_mode<synchronous>, transform_indices = @transform_4, window_bounds = array<i64: 1, 768>}, {pipeline_mode = #tpu.pipeline_mode<synchronous>, transform_indices = @transform_5, window_bounds = array<i64: 2048, 768>}]} {
    %mul3A = arith.constant 256 : i32
    %mul3A_0 = arith.muli %arg1, %mul3A : i32
    %get3A = arith.index_cast %mul3A_0 : i32 to index
    %get3A_1 = arith.constant 0 : index
    %get3A_2 = vector.load %arg2[%get3A, %get3A_1] : memref<2048x768xf32, #tpu.memory_space<vmem>>, vector<256x768xf32>
    %convert_element_type3A = arith.truncf %get3A_2 : vector<256x768xf32> to vector<256x768xbf16>
    %get3A_3 = arith.constant 0 : index
    %get3A_4 = arith.constant 0 : index
    %get3A_5 = vector.load %arg3[%get3A_3, %get3A_4] : memref<768x512xf32, #tpu.memory_space<vmem>>, vector<768x512xf32>
    %convert_element_type3A_6 = arith.truncf %get3A_5 : vector<768x512xf32> to vector<768x512xbf16>
    %dot_general3A = arith.constant dense<0.000000e+00> : vector<256x512xf32>
    %dot_general3A_7 = tpu.matmul %convert_element_type3A, %convert_element_type3A_6, %dot_general3A {dimension_numbers = #tpu.dot_dimension_numbers<[1], [0], [0], [1], [0, 0, 1, 1], [], []>, transpose_lhs_hint = false} : vector<256x768xbf16>, vector<768x512xbf16>, vector<256x512xf32> -> vector<256x512xf32>
    %get3A_8 = arith.constant 0 : index
    %get3A_9 = arith.constant 0 : index
    %get3A_10 = vector.load %arg4[%get3A_8, %get3A_9] : memref<1x512xf32, #tpu.memory_space<vmem>>, vector<1x512xf32>
    %add3A = vector.broadcast %get3A_10 : vector<1x512xf32> to vector<256x512xf32>
    %add3A_11 = arith.addf %dot_general3A_7, %add3A : vector<256x512xf32>
    %mul3A_12 = arith.constant 5.000000e-01 : f32
    %mul3A_13 = vector.broadcast %mul3A_12 : f32 to vector<256x512xf32>
    %mul3A_14 = arith.mulf %add3A_11, %mul3A_13 : vector<256x512xf32>
    %mul3A_15 = arith.constant 0.707106769 : f32
    %mul3A_16 = vector.broadcast %mul3A_15 : f32 to vector<256x512xf32>
    %mul3A_17 = arith.mulf %add3A_11, %mul3A_16 : vector<256x512xf32>
    %erf3A = math.erf %mul3A_17 : vector<256x512xf32>
    %add3A_18 = arith.constant 1.000000e+00 : f32
    %add3A_19 = vector.broadcast %add3A_18 : f32 to vector<256x512xf32>
    %add3A_20 = arith.addf %add3A_19, %erf3A : vector<256x512xf32>
    %mul3A_21 = arith.mulf %mul3A_14, %add3A_20 : vector<256x512xf32>
    %convert_element_type3A_22 = arith.truncf %mul3A_21 : vector<256x512xf32> to vector<256x512xbf16>
    %get3A_23 = arith.constant 0 : index
    %get3A_24 = arith.constant 0 : index
    %get3A_25 = vector.load %arg5[%get3A_23, %get3A_24] : memref<512x768xf32, #tpu.memory_space<vmem>>, vector<512x768xf32>
    %convert_element_type3A_26 = arith.truncf %get3A_25 : vector<512x768xf32> to vector<512x768xbf16>
    %dot_general3A_27 = arith.constant dense<0.000000e+00> : vector<256x768xf32>
    %dot_general3A_28 = tpu.matmul %convert_element_type3A_22, %convert_element_type3A_26, %dot_general3A_27 {dimension_numbers = #tpu.dot_dimension_numbers<[1], [0], [0], [1], [0, 0, 1, 1], [], []>, transpose_lhs_hint = false} : vector<256x512xbf16>, vector<512x768xbf16>, vector<256x768xf32> -> vector<256x768xf32>
    %eq3A = arith.constant 0 : i32
    %eq3A_29 = arith.cmpi eq, %arg0, %eq3A : i32
    %get3A_30 = arith.constant 0 : index
    %get3A_31 = arith.constant 0 : index
    %get3A_32 = vector.load %arg6[%get3A_30, %get3A_31] : memref<1x768xf32, #tpu.memory_space<vmem>>, vector<1x768xf32>
    %add3A_33 = vector.broadcast %get3A_32 : vector<1x768xf32> to vector<256x768xf32>
    %add3A_34 = arith.addf %dot_general3A_28, %add3A_33 : vector<256x768xf32>
    %select_n3A = arith.select %eq3A_29, %add3A_34, %dot_general3A_28 : vector<256x768xf32>
    %eq3A_35 = arith.constant 0 : i32
    %eq3A_36 = arith.cmpi eq, %arg0, %eq3A_35 : i32
    %convert_element_type3A_37 = arith.extui %eq3A_36 : i1 to i32
    %cond3A = arith.constant 0 : i32
    %cond3A_38 = arith.cmpi ne, %convert_element_type3A_37, %cond3A : i32
    scf.if %cond3A_38 {
      %swap3A = arith.index_cast %mul3A_0 : i32 to index
      %swap3A_48 = arith.constant 0 : index
      %swap3A_49 = vector.load %arg8[%swap3A, %swap3A_48] : memref<2048x768xf32, #tpu.memory_space<vmem>>, vector<256x768xf32>
      tpu.vector_store %arg8[%swap3A, %swap3A_48], %select_n3A {strides = array<i32>} : memref<2048x768xf32, #tpu.memory_space<vmem>>, vector<256x768xf32>,
    } else {
    }
    %ne3A = arith.constant 0 : i32
    %ne3A_39 = arith.cmpi ne, %arg0, %ne3A : i32
    %convert_element_type3A_40 = arith.extui %ne3A_39 : i1 to i32
    %cond3A_41 = arith.constant 0 : i32
    %cond3A_42 = arith.cmpi ne, %convert_element_type3A_40, %cond3A_41 : i32
    scf.if %cond3A_42 {
      %get3A_48 = arith.index_cast %mul3A_0 : i32 to index
      %get3A_49 = arith.constant 0 : index
      %get3A_50 = vector.load %arg8[%get3A_48, %get3A_49] : memref<2048x768xf32, #tpu.memory_space<vmem>>, vector<256x768xf32>
      %add3A_51 = arith.addf %get3A_50, %select_n3A : vector<256x768xf32>
      %swap3A = arith.index_cast %mul3A_0 : i32 to index
      %swap3A_52 = arith.constant 0 : index
      %swap3A_53 = vector.load %arg8[%swap3A, %swap3A_52] : memref<2048x768xf32, #tpu.memory_space<vmem>>, vector<256x768xf32>
      tpu.vector_store %arg8[%swap3A, %swap3A_52], %add3A_51 {strides = array<i32>} : memref<2048x768xf32, #tpu.memory_space<vmem>>, vector<256x768xf32>,
    } else {
    }
    %eq3A_43 = arith.constant 3 : i32
    %eq3A_44 = arith.cmpi eq, %arg0, %eq3A_43 : i32
    %convert_element_type3A_45 = arith.extui %eq3A_44 : i1 to i32
    %cond3A_46 = arith.constant 0 : i32
    %cond3A_47 = arith.cmpi ne, %convert_element_type3A_45, %cond3A_46 : i32
    scf.if %cond3A_47 {
      %get3A_48 = arith.index_cast %mul3A_0 : i32 to index
      %get3A_49 = arith.constant 0 : index
      %get3A_50 = vector.load %arg8[%get3A_48, %get3A_49] : memref<2048x768xf32, #tpu.memory_space<vmem>>, vector<256x768xf32>
      %add3A_51 = arith.addf %get3A_50, %get3A_2 : vector<256x768xf32>
      %swap3A = arith.index_cast %mul3A_0 : i32 to index
      %swap3A_52 = arith.constant 0 : index
      %swap3A_53 = vector.load %arg7[%swap3A, %swap3A_52] : memref<2048x768xf32, #tpu.memory_space<vmem>>, vector<256x768xf32>
      tpu.vector_store %arg7[%swap3A, %swap3A_52], %add3A_51 {strides = array<i32>} : memref<2048x768xf32, #tpu.memory_space<vmem>>, vector<256x768xf32>,
    } else {
    }
    return
  }
  func.func @transform_0(%arg0: i32, %arg1: i32) -> (i32, i32) {
    %c0_i32 = arith.constant 0 : i32
    %c0_i32_0 = arith.constant 0 : i32
    %c0_i32_1 = arith.constant 0 : i32
    return %c0_i32, %c0_i32_0 : i32, i32
  }
  func.func @transform_1(%arg0: i32, %arg1: i32) -> (i32, i32) {
    %c0_i32 = arith.constant 0 : i32
    %c0_i32_0 = arith.constant 0 : i32
    return %c0_i32, %arg0 : i32, i32
  }
  func.func @transform_2(%arg0: i32, %arg1: i32) -> (i32, i32) {
    %c0_i32 = arith.constant 0 : i32
    %c0_i32_0 = arith.constant 0 : i32
    return %c0_i32, %arg0 : i32, i32
  }
  func.func @transform_3(%arg0: i32, %arg1: i32) -> (i32, i32) {
    %c0_i32 = arith.constant 0 : i32
    %c0_i32_0 = arith.constant 0 : i32
    return %arg0, %c0_i32 : i32, i32
  }
  func.func @transform_4(%arg0: i32, %arg1: i32) -> (i32, i32) {
    %c0_i32 = arith.constant 0 : i32
    %c0_i32_0 = arith.constant 0 : i32
    %c0_i32_1 = arith.constant 0 : i32
    return %c0_i32, %c0_i32_0 : i32, i32
  }
  func.func @transform_5(%arg0: i32, %arg1: i32) -> (i32, i32) {
    %c0_i32 = arith.constant 0 : i32
    %c0_i32_0 = arith.constant 0 : i32
    %c0_i32_1 = arith.constant 0 : i32
    return %c0_i32, %c0_i32_0 : i32, i32
  }
}

module attributes {stable_mosaic.version = 14 : i64} {
  func.func @_group_body(%arg0: i32, %arg1: i32, %arg2: memref<16xi32, #tpu.memory_space<smem>>, %arg3: memref<3584x1xi32, #tpu.memory_space<vmem>>, %arg4: memref<2048x768xf32, #tpu.memory_space<vmem>>, %arg5: memref<3584x1xf32, #tpu.memory_space<vmem>>, %arg6: memref<1x768x512xf32, #tpu.memory_space<vmem>>, %arg7: memref<1x1x512xf32, #tpu.memory_space<vmem>>, %arg8: memref<1x512x768xf32, #tpu.memory_space<vmem>>, %arg9: memref<1x1x768xf32, #tpu.memory_space<vmem>>, %arg10: memref<3584x768xbf16, #tpu.memory_space<vmem>>, %arg11: memref<3584x768xf32, #tpu.memory_space<vmem>>, %arg12: memref<2048x768xbf16, #tpu.memory_space<vmem>>, %arg13: memref<3584x768xbf16, #tpu.memory_space<vmem>>) attributes {dimension_semantics = [#tpu.dimension_semantics<arbitrary>, #tpu.dimension_semantics<arbitrary>], iteration_bounds = array<i64: 4, 14>, scalar_prefetch = 1 : i64, scratch_operands = 3 : i64, tpu.core_type = #tpu.core_type<tc>, window_params = [{pipeline_mode = #tpu.pipeline_mode<synchronous>, transform_indices = @transform_0, window_bounds = array<i64: 3584, 1>}, {pipeline_mode = #tpu.pipeline_mode<synchronous>, transform_indices = @transform_1, window_bounds = array<i64: 2048, 768>}, {pipeline_mode = #tpu.pipeline_mode<synchronous>, transform_indices = @transform_2, window_bounds = array<i64: 3584, 1>}, {transform_indices = @transform_3, window_bounds = array<i64: 1, 768, 512>}, {transform_indices = @transform_4, window_bounds = array<i64: 1, 1, 512>}, {transform_indices = @transform_5, window_bounds = array<i64: 1, 512, 768>}, {transform_indices = @transform_6, window_bounds = array<i64: 1, 1, 768>}, {pipeline_mode = #tpu.pipeline_mode<synchronous>, transform_indices = @transform_7, window_bounds = array<i64: 3584, 768>}]} {
    %mul3A = arith.constant 256 : i32
    %mul3A_0 = arith.muli %arg1, %mul3A : i32
    %eq3A = arith.constant 0 : i32
    %eq3A_1 = arith.cmpi eq, %arg0, %eq3A : i32
    %eq3A_2 = arith.constant 0 : i32
    %eq3A_3 = arith.cmpi eq, %arg1, %eq3A_2 : i32
    %and3A = arith.andi %eq3A_1, %eq3A_3 : i1
    %convert_element_type3A = arith.extui %and3A : i1 to i32
    %cond3A = arith.constant 0 : i32
    %cond3A_4 = arith.cmpi ne, %convert_element_type3A, %cond3A : i32
    scf.if %cond3A_4 {
      %get3A_67 = arith.constant 0 : index
      %get3A_68 = arith.constant 0 : index
      %get3A_69 = vector.load %arg4[%get3A_67, %get3A_68] : memref<2048x768xf32, #tpu.memory_space<vmem>>, vector<2048x768xf32>
      %convert_element_type3A_70 = arith.truncf %get3A_69 : vector<2048x768xf32> to vector<2048x768xbf16>
      %swap3A = arith.constant 0 : index
      %swap3A_71 = arith.constant 0 : index
      %swap3A_72 = vector.load %arg12[%swap3A, %swap3A_71] : memref<2048x768xbf16, #tpu.memory_space<vmem>>, vector<2048x768xbf16>
      tpu.vector_store %arg12[%swap3A, %swap3A_71], %convert_element_type3A_70 {strides = array<i32>} : memref<2048x768xbf16, #tpu.memory_space<vmem>>, vector<2048x768xbf16>,
    } else {
    }
    %eq3A_5 = arith.constant 0 : i32
    %eq3A_6 = arith.cmpi eq, %arg0, %eq3A_5 : i32
    %convert_element_type3A_7 = arith.extui %eq3A_6 : i1 to i32
    %cond3A_8 = arith.constant 0 : i32
    %cond3A_9 = arith.cmpi ne, %convert_element_type3A_7, %cond3A_8 : i32
    scf.if %cond3A_9 {
      %iota3A = tpu.iota {dimensions = array<i32: 1>} : vector<256x2048xi32>
      %get3A_67 = arith.index_cast %mul3A_0 : i32 to index
      %get3A_68 = arith.constant 0 : index
      %get3A_69 = vector.load %arg3[%get3A_67, %get3A_68] : memref<3584x1xi32, #tpu.memory_space<vmem>>, vector<256x1xi32>
      %eq3A_70 = vector.broadcast %get3A_69 : vector<256x1xi32> to vector<256x2048xi32>
      %eq3A_71 = arith.cmpi eq, %eq3A_70, %iota3A : vector<256x2048xi32>
      %convert_element_type3A_72 = arith.extui %eq3A_71 : vector<256x2048xi1> to vector<256x2048xi32>
      %convert_element_type3A_73 = arith.sitofp %convert_element_type3A_72 : vector<256x2048xi32> to vector<256x2048xf32>
      %convert_element_type3A_74 = arith.truncf %convert_element_type3A_73 : vector<256x2048xf32> to vector<256x2048xbf16>
      %get3A_75 = arith.constant 0 : index
      %get3A_76 = arith.constant 0 : index
      %get3A_77 = vector.load %arg12[%get3A_75, %get3A_76] : memref<2048x768xbf16, #tpu.memory_space<vmem>>, vector<2048x768xbf16>
      %dot_general3A_78 = arith.constant dense<0.000000e+00> : vector<256x768xf32>
      %dot_general3A_79 = tpu.matmul %convert_element_type3A_74, %get3A_77, %dot_general3A_78 {dimension_numbers = #tpu.dot_dimension_numbers<[1], [0], [0], [1], [0, 0, 1, 1], [], []>, transpose_lhs_hint = false} : vector<256x2048xbf16>, vector<2048x768xbf16>, vector<256x768xf32> -> vector<256x768xf32>
      %convert_element_type3A_80 = arith.truncf %dot_general3A_79 : vector<256x768xf32> to vector<256x768xbf16>
      %swap3A = arith.index_cast %mul3A_0 : i32 to index
      %swap3A_81 = arith.constant 0 : index
      %swap3A_82 = vector.load %arg13[%swap3A, %swap3A_81] : memref<3584x768xbf16, #tpu.memory_space<vmem>>, vector<256x768xbf16>
      tpu.vector_store %arg13[%swap3A, %swap3A_81], %convert_element_type3A_80 {strides = array<i32>} : memref<3584x768xbf16, #tpu.memory_space<vmem>>, vector<256x768xbf16>,
    } else {
    }
    %get3A = arith.index_cast %mul3A_0 : i32 to index
    %get3A_10 = arith.constant 0 : index
    %get3A_11 = vector.load %arg13[%get3A, %get3A_10] : memref<3584x768xbf16, #tpu.memory_space<vmem>>, vector<256x768xbf16>
    %get3A_12 = arith.constant 0 : index
    %get3A_13 = arith.constant 0 : index
    %get3A_14 = arith.constant 0 : index
    %get3A_15 = vector.load %arg6[%get3A_12, %get3A_13, %get3A_14] : memref<1x768x512xf32, #tpu.memory_space<vmem>>, vector<1x768x512xf32>
    %get3A_16 = vector.shape_cast %get3A_15 : vector<1x768x512xf32> to vector<768x512xf32>
    %convert_element_type3A_17 = arith.truncf %get3A_16 : vector<768x512xf32> to vector<768x512xbf16>
    %dot_general3A = arith.constant dense<0.000000e+00> : vector<256x512xf32>
    %dot_general3A_18 = tpu.matmul %get3A_11, %convert_element_type3A_17, %dot_general3A {dimension_numbers = #tpu.dot_dimension_numbers<[1], [0], [0], [1], [0, 0, 1, 1], [], []>, transpose_lhs_hint = false} : vector<256x768xbf16>, vector<768x512xbf16>, vector<256x512xf32> -> vector<256x512xf32>
    %get3A_19 = arith.constant 0 : index
    %get3A_20 = arith.constant 0 : index
    %get3A_21 = arith.constant 0 : index
    %get3A_22 = vector.load %arg7[%get3A_19, %get3A_20, %get3A_21] : memref<1x1x512xf32, #tpu.memory_space<vmem>>, vector<1x1x512xf32>
    %get3A_23 = vector.shape_cast %get3A_22 : vector<1x1x512xf32> to vector<1x512xf32>
    %add3A = vector.broadcast %get3A_23 : vector<1x512xf32> to vector<256x512xf32>
    %add3A_24 = arith.addf %dot_general3A_18, %add3A : vector<256x512xf32>
    %mul3A_25 = arith.constant 5.000000e-01 : f32
    %mul3A_26 = vector.broadcast %mul3A_25 : f32 to vector<256x512xf32>
    %mul3A_27 = arith.mulf %add3A_24, %mul3A_26 : vector<256x512xf32>
    %mul3A_28 = arith.constant 0.707106769 : f32
    %mul3A_29 = vector.broadcast %mul3A_28 : f32 to vector<256x512xf32>
    %mul3A_30 = arith.mulf %add3A_24, %mul3A_29 : vector<256x512xf32>
    %erf3A = math.erf %mul3A_30 : vector<256x512xf32>
    %add3A_31 = arith.constant 1.000000e+00 : f32
    %add3A_32 = vector.broadcast %add3A_31 : f32 to vector<256x512xf32>
    %add3A_33 = arith.addf %add3A_32, %erf3A : vector<256x512xf32>
    %mul3A_34 = arith.mulf %mul3A_27, %add3A_33 : vector<256x512xf32>
    %convert_element_type3A_35 = arith.truncf %mul3A_34 : vector<256x512xf32> to vector<256x512xbf16>
    %get3A_36 = arith.constant 0 : index
    %get3A_37 = arith.constant 0 : index
    %get3A_38 = arith.constant 0 : index
    %get3A_39 = vector.load %arg8[%get3A_36, %get3A_37, %get3A_38] : memref<1x512x768xf32, #tpu.memory_space<vmem>>, vector<1x512x768xf32>
    %get3A_40 = vector.shape_cast %get3A_39 : vector<1x512x768xf32> to vector<512x768xf32>
    %convert_element_type3A_41 = arith.truncf %get3A_40 : vector<512x768xf32> to vector<512x768xbf16>
    %dot_general3A_42 = arith.constant dense<0.000000e+00> : vector<256x768xf32>
    %dot_general3A_43 = tpu.matmul %convert_element_type3A_35, %convert_element_type3A_41, %dot_general3A_42 {dimension_numbers = #tpu.dot_dimension_numbers<[1], [0], [0], [1], [0, 0, 1, 1], [], []>, transpose_lhs_hint = false} : vector<256x512xbf16>, vector<512x768xbf16>, vector<256x768xf32> -> vector<256x768xf32>
    %eq3A_44 = arith.constant 0 : i32
    %eq3A_45 = arith.cmpi eq, %arg0, %eq3A_44 : i32
    %get3A_46 = arith.constant 0 : index
    %get3A_47 = arith.constant 0 : index
    %get3A_48 = arith.constant 0 : index
    %get3A_49 = vector.load %arg9[%get3A_46, %get3A_47, %get3A_48] : memref<1x1x768xf32, #tpu.memory_space<vmem>>, vector<1x1x768xf32>
    %get3A_50 = vector.shape_cast %get3A_49 : vector<1x1x768xf32> to vector<1x768xf32>
    %add3A_51 = vector.broadcast %get3A_50 : vector<1x768xf32> to vector<256x768xf32>
    %add3A_52 = arith.addf %dot_general3A_43, %add3A_51 : vector<256x768xf32>
    %select_n3A = arith.select %eq3A_45, %add3A_52, %dot_general3A_43 : vector<256x768xf32>
    %eq3A_53 = arith.constant 0 : i32
    %eq3A_54 = arith.cmpi eq, %arg0, %eq3A_53 : i32
    %convert_element_type3A_55 = arith.extui %eq3A_54 : i1 to i32
    %cond3A_56 = arith.constant 0 : i32
    %cond3A_57 = arith.cmpi ne, %convert_element_type3A_55, %cond3A_56 : i32
    scf.if %cond3A_57 {
      %swap3A = arith.index_cast %mul3A_0 : i32 to index
      %swap3A_67 = arith.constant 0 : index
      %swap3A_68 = vector.load %arg11[%swap3A, %swap3A_67] : memref<3584x768xf32, #tpu.memory_space<vmem>>, vector<256x768xf32>
      tpu.vector_store %arg11[%swap3A, %swap3A_67], %select_n3A {strides = array<i32>} : memref<3584x768xf32, #tpu.memory_space<vmem>>, vector<256x768xf32>,
    } else {
    }
    %ne3A = arith.constant 0 : i32
    %ne3A_58 = arith.cmpi ne, %arg0, %ne3A : i32
    %convert_element_type3A_59 = arith.extui %ne3A_58 : i1 to i32
    %cond3A_60 = arith.constant 0 : i32
    %cond3A_61 = arith.cmpi ne, %convert_element_type3A_59, %cond3A_60 : i32
    scf.if %cond3A_61 {
      %get3A_67 = arith.index_cast %mul3A_0 : i32 to index
      %get3A_68 = arith.constant 0 : index
      %get3A_69 = vector.load %arg11[%get3A_67, %get3A_68] : memref<3584x768xf32, #tpu.memory_space<vmem>>, vector<256x768xf32>
      %add3A_70 = arith.addf %get3A_69, %select_n3A : vector<256x768xf32>
      %swap3A = arith.index_cast %mul3A_0 : i32 to index
      %swap3A_71 = arith.constant 0 : index
      %swap3A_72 = vector.load %arg11[%swap3A, %swap3A_71] : memref<3584x768xf32, #tpu.memory_space<vmem>>, vector<256x768xf32>
      tpu.vector_store %arg11[%swap3A, %swap3A_71], %add3A_70 {strides = array<i32>} : memref<3584x768xf32, #tpu.memory_space<vmem>>, vector<256x768xf32>,
    } else {
    }
    %eq3A_62 = arith.constant 3 : i32
    %eq3A_63 = arith.cmpi eq, %arg0, %eq3A_62 : i32
    %convert_element_type3A_64 = arith.extui %eq3A_63 : i1 to i32
    %cond3A_65 = arith.constant 0 : i32
    %cond3A_66 = arith.cmpi ne, %convert_element_type3A_64, %cond3A_65 : i32
    scf.if %cond3A_66 {
      %get3A_67 = arith.index_cast %mul3A_0 : i32 to index
      %get3A_68 = arith.constant 0 : index
      %get3A_69 = vector.load %arg5[%get3A_67, %get3A_68] : memref<3584x1xf32, #tpu.memory_space<vmem>>, vector<256x1xf32>
      %get3A_70 = arith.index_cast %mul3A_0 : i32 to index
      %get3A_71 = arith.constant 0 : index
      %get3A_72 = vector.load %arg11[%get3A_70, %get3A_71] : memref<3584x768xf32, #tpu.memory_space<vmem>>, vector<256x768xf32>
      %mul3A_73 = vector.broadcast %get3A_69 : vector<256x1xf32> to vector<256x768xf32>
      %mul3A_74 = arith.mulf %mul3A_73, %get3A_72 : vector<256x768xf32>
      %convert_element_type3A_75 = arith.truncf %mul3A_74 : vector<256x768xf32> to vector<256x768xbf16>
      %swap3A = arith.index_cast %mul3A_0 : i32 to index
      %swap3A_76 = arith.constant 0 : index
      %swap3A_77 = vector.load %arg10[%swap3A, %swap3A_76] : memref<3584x768xbf16, #tpu.memory_space<vmem>>, vector<256x768xbf16>
      tpu.vector_store %arg10[%swap3A, %swap3A_76], %convert_element_type3A_75 {strides = array<i32>} : memref<3584x768xbf16, #tpu.memory_space<vmem>>, vector<256x768xbf16>,
    } else {
    }
    return
  }
  func.func @transform_0(%arg0: i32, %arg1: i32, %arg2: memref<16xi32, #tpu.memory_space<smem>>) -> (i32, i32) {
    %c0_i32 = arith.constant 0 : i32
    %c0_i32_0 = arith.constant 0 : i32
    %c0_i32_1 = arith.constant 0 : i32
    return %c0_i32, %c0_i32_0 : i32, i32
  }
  func.func @transform_1(%arg0: i32, %arg1: i32, %arg2: memref<16xi32, #tpu.memory_space<smem>>) -> (i32, i32) {
    %c0_i32 = arith.constant 0 : i32
    %c0_i32_0 = arith.constant 0 : i32
    %c0_i32_1 = arith.constant 0 : i32
    return %c0_i32, %c0_i32_0 : i32, i32
  }
  func.func @transform_2(%arg0: i32, %arg1: i32, %arg2: memref<16xi32, #tpu.memory_space<smem>>) -> (i32, i32) {
    %c0_i32 = arith.constant 0 : i32
    %c0_i32_0 = arith.constant 0 : i32
    %c0_i32_1 = arith.constant 0 : i32
    return %c0_i32, %c0_i32_0 : i32, i32
  }
  func.func @transform_3(%arg0: i32, %arg1: i32, %arg2: memref<16xi32, #tpu.memory_space<smem>>) -> (i32, i32, i32) {
    %get3A = arith.index_cast %arg1 : i32 to index
    %get3A_0 = memref.load %arg2[%get3A] : memref<16xi32, #tpu.memory_space<smem>>
    %c0_i32 = arith.constant 0 : i32
    %c0_i32_1 = arith.constant 0 : i32
    return %get3A_0, %c0_i32, %arg0 : i32, i32, i32
  }
  func.func @transform_4(%arg0: i32, %arg1: i32, %arg2: memref<16xi32, #tpu.memory_space<smem>>) -> (i32, i32, i32) {
    %get3A = arith.index_cast %arg1 : i32 to index
    %get3A_0 = memref.load %arg2[%get3A] : memref<16xi32, #tpu.memory_space<smem>>
    %c0_i32 = arith.constant 0 : i32
    %c0_i32_1 = arith.constant 0 : i32
    return %get3A_0, %c0_i32, %arg0 : i32, i32, i32
  }
  func.func @transform_5(%arg0: i32, %arg1: i32, %arg2: memref<16xi32, #tpu.memory_space<smem>>) -> (i32, i32, i32) {
    %get3A = arith.index_cast %arg1 : i32 to index
    %get3A_0 = memref.load %arg2[%get3A] : memref<16xi32, #tpu.memory_space<smem>>
    %c0_i32 = arith.constant 0 : i32
    %c0_i32_1 = arith.constant 0 : i32
    return %get3A_0, %arg0, %c0_i32 : i32, i32, i32
  }
  func.func @transform_6(%arg0: i32, %arg1: i32, %arg2: memref<16xi32, #tpu.memory_space<smem>>) -> (i32, i32, i32) {
    %get3A = arith.index_cast %arg1 : i32 to index
    %get3A_0 = memref.load %arg2[%get3A] : memref<16xi32, #tpu.memory_space<smem>>
    %c0_i32 = arith.constant 0 : i32
    %c0_i32_1 = arith.constant 0 : i32
    %c0_i32_2 = arith.constant 0 : i32
    return %get3A_0, %c0_i32, %c0_i32_1 : i32, i32, i32
  }
  func.func @transform_7(%arg0: i32, %arg1: i32, %arg2: memref<16xi32, #tpu.memory_space<smem>>) -> (i32, i32) {
    %c0_i32 = arith.constant 0 : i32
    %c0_i32_0 = arith.constant 0 : i32
    %c0_i32_1 = arith.constant 0 : i32
    return %c0_i32, %c0_i32_0 : i32, i32
  }
}

module attributes {stable_mosaic.version = 14 : i64} {
  func.func @_unsort_body(%arg0: i32, %arg1: memref<1x3584xi32, #tpu.memory_space<vmem>>, %arg2: memref<3584x768xbf16, #tpu.memory_space<vmem>>, %arg3: memref<256x768xf32, #tpu.memory_space<vmem>>, %arg4: memref<256x768xf32, #tpu.memory_space<vmem>>) attributes {dimension_semantics = [#tpu.dimension_semantics<arbitrary>], iteration_bounds = array<i64: 8>, scalar_prefetch = 0 : i64, scratch_operands = 0 : i64, tpu.core_type = #tpu.core_type<tc>, window_params = [{pipeline_mode = #tpu.pipeline_mode<synchronous>, transform_indices = @transform_0, window_bounds = array<i64: 1, 3584>}, {pipeline_mode = #tpu.pipeline_mode<synchronous>, transform_indices = @transform_1, window_bounds = array<i64: 3584, 768>}, {transform_indices = @transform_2, window_bounds = array<i64: 256, 768>}, {transform_indices = @transform_3, window_bounds = array<i64: 256, 768>}]} {
    %iota3A = tpu.iota {dimensions = array<i32: 0>} : vector<256x1xi32>
    %mul3A = arith.constant 256 : i32
    %mul3A_0 = arith.muli %arg0, %mul3A : i32
    %add3A = vector.broadcast %mul3A_0 : i32 to vector<256x1xi32>
    %add3A_1 = arith.addi %iota3A, %add3A : vector<256x1xi32>
    %get3A = arith.constant 0 : index
    %get3A_2 = arith.constant 0 : index
    %get3A_3 = vector.load %arg3[%get3A, %get3A_2] : memref<256x768xf32, #tpu.memory_space<vmem>>, vector<256x768xf32>
    %get3A_4 = arith.constant 0 : index
    %get3A_5 = arith.constant 0 : index
    %get3A_6 = vector.load %arg1[%get3A_4, %get3A_5] : memref<1x3584xi32, #tpu.memory_space<vmem>>, vector<1x256xi32>
    %eq3A = vector.broadcast %get3A_6 : vector<1x256xi32> to vector<256x256xi32>
    %eq3A_7 = vector.broadcast %add3A_1 : vector<256x1xi32> to vector<256x256xi32>
    %eq3A_8 = arith.cmpi eq, %eq3A, %eq3A_7 : vector<256x256xi32>
    %convert_element_type3A = arith.extui %eq3A_8 : vector<256x256xi1> to vector<256x256xi32>
    %convert_element_type3A_9 = arith.sitofp %convert_element_type3A : vector<256x256xi32> to vector<256x256xf32>
    %convert_element_type3A_10 = arith.truncf %convert_element_type3A_9 : vector<256x256xf32> to vector<256x256xbf16>
    %get3A_11 = arith.constant 0 : index
    %get3A_12 = arith.constant 0 : index
    %get3A_13 = vector.load %arg2[%get3A_11, %get3A_12] : memref<3584x768xbf16, #tpu.memory_space<vmem>>, vector<256x768xbf16>
    %dot_general3A = arith.constant dense<0.000000e+00> : vector<256x768xf32>
    %dot_general3A_14 = tpu.matmul %convert_element_type3A_10, %get3A_13, %dot_general3A {dimension_numbers = #tpu.dot_dimension_numbers<[1], [0], [0], [1], [0, 0, 1, 1], [], []>, transpose_lhs_hint = false} : vector<256x256xbf16>, vector<256x768xbf16>, vector<256x768xf32> -> vector<256x768xf32>
    %add3A_15 = arith.addf %get3A_3, %dot_general3A_14 : vector<256x768xf32>
    %get3A_16 = arith.constant 0 : index
    %get3A_17 = arith.constant 256 : index
    %get3A_18 = vector.load %arg1[%get3A_16, %get3A_17] : memref<1x3584xi32, #tpu.memory_space<vmem>>, vector<1x256xi32>
    %eq3A_19 = vector.broadcast %get3A_18 : vector<1x256xi32> to vector<256x256xi32>
    %eq3A_20 = vector.broadcast %add3A_1 : vector<256x1xi32> to vector<256x256xi32>
    %eq3A_21 = arith.cmpi eq, %eq3A_19, %eq3A_20 : vector<256x256xi32>
    %convert_element_type3A_22 = arith.extui %eq3A_21 : vector<256x256xi1> to vector<256x256xi32>
    %convert_element_type3A_23 = arith.sitofp %convert_element_type3A_22 : vector<256x256xi32> to vector<256x256xf32>
    %convert_element_type3A_24 = arith.truncf %convert_element_type3A_23 : vector<256x256xf32> to vector<256x256xbf16>
    %get3A_25 = arith.constant 256 : index
    %get3A_26 = arith.constant 0 : index
    %get3A_27 = vector.load %arg2[%get3A_25, %get3A_26] : memref<3584x768xbf16, #tpu.memory_space<vmem>>, vector<256x768xbf16>
    %dot_general3A_28 = arith.constant dense<0.000000e+00> : vector<256x768xf32>
    %dot_general3A_29 = tpu.matmul %convert_element_type3A_24, %get3A_27, %dot_general3A_28 {dimension_numbers = #tpu.dot_dimension_numbers<[1], [0], [0], [1], [0, 0, 1, 1], [], []>, transpose_lhs_hint = false} : vector<256x256xbf16>, vector<256x768xbf16>, vector<256x768xf32> -> vector<256x768xf32>
    %add3A_30 = arith.addf %add3A_15, %dot_general3A_29 : vector<256x768xf32>
    %get3A_31 = arith.constant 0 : index
    %get3A_32 = arith.constant 512 : index
    %get3A_33 = vector.load %arg1[%get3A_31, %get3A_32] : memref<1x3584xi32, #tpu.memory_space<vmem>>, vector<1x256xi32>
    %eq3A_34 = vector.broadcast %get3A_33 : vector<1x256xi32> to vector<256x256xi32>
    %eq3A_35 = vector.broadcast %add3A_1 : vector<256x1xi32> to vector<256x256xi32>
    %eq3A_36 = arith.cmpi eq, %eq3A_34, %eq3A_35 : vector<256x256xi32>
    %convert_element_type3A_37 = arith.extui %eq3A_36 : vector<256x256xi1> to vector<256x256xi32>
    %convert_element_type3A_38 = arith.sitofp %convert_element_type3A_37 : vector<256x256xi32> to vector<256x256xf32>
    %convert_element_type3A_39 = arith.truncf %convert_element_type3A_38 : vector<256x256xf32> to vector<256x256xbf16>
    %get3A_40 = arith.constant 512 : index
    %get3A_41 = arith.constant 0 : index
    %get3A_42 = vector.load %arg2[%get3A_40, %get3A_41] : memref<3584x768xbf16, #tpu.memory_space<vmem>>, vector<256x768xbf16>
    %dot_general3A_43 = arith.constant dense<0.000000e+00> : vector<256x768xf32>
    %dot_general3A_44 = tpu.matmul %convert_element_type3A_39, %get3A_42, %dot_general3A_43 {dimension_numbers = #tpu.dot_dimension_numbers<[1], [0], [0], [1], [0, 0, 1, 1], [], []>, transpose_lhs_hint = false} : vector<256x256xbf16>, vector<256x768xbf16>, vector<256x768xf32> -> vector<256x768xf32>
    %add3A_45 = arith.addf %add3A_30, %dot_general3A_44 : vector<256x768xf32>
    %get3A_46 = arith.constant 0 : index
    %get3A_47 = arith.constant 768 : index
    %get3A_48 = vector.load %arg1[%get3A_46, %get3A_47] : memref<1x3584xi32, #tpu.memory_space<vmem>>, vector<1x256xi32>
    %eq3A_49 = vector.broadcast %get3A_48 : vector<1x256xi32> to vector<256x256xi32>
    %eq3A_50 = vector.broadcast %add3A_1 : vector<256x1xi32> to vector<256x256xi32>
    %eq3A_51 = arith.cmpi eq, %eq3A_49, %eq3A_50 : vector<256x256xi32>
    %convert_element_type3A_52 = arith.extui %eq3A_51 : vector<256x256xi1> to vector<256x256xi32>
    %convert_element_type3A_53 = arith.sitofp %convert_element_type3A_52 : vector<256x256xi32> to vector<256x256xf32>
    %convert_element_type3A_54 = arith.truncf %convert_element_type3A_53 : vector<256x256xf32> to vector<256x256xbf16>
    %get3A_55 = arith.constant 768 : index
    %get3A_56 = arith.constant 0 : index
    %get3A_57 = vector.load %arg2[%get3A_55, %get3A_56] : memref<3584x768xbf16, #tpu.memory_space<vmem>>, vector<256x768xbf16>
    %dot_general3A_58 = arith.constant dense<0.000000e+00> : vector<256x768xf32>
    %dot_general3A_59 = tpu.matmul %convert_element_type3A_54, %get3A_57, %dot_general3A_58 {dimension_numbers = #tpu.dot_dimension_numbers<[1], [0], [0], [1], [0, 0, 1, 1], [], []>, transpose_lhs_hint = false} : vector<256x256xbf16>, vector<256x768xbf16>, vector<256x768xf32> -> vector<256x768xf32>
    %add3A_60 = arith.addf %add3A_45, %dot_general3A_59 : vector<256x768xf32>
    %get3A_61 = arith.constant 0 : index
    %get3A_62 = arith.constant 1024 : index
    %get3A_63 = vector.load %arg1[%get3A_61, %get3A_62] : memref<1x3584xi32, #tpu.memory_space<vmem>>, vector<1x256xi32>
    %eq3A_64 = vector.broadcast %get3A_63 : vector<1x256xi32> to vector<256x256xi32>
    %eq3A_65 = vector.broadcast %add3A_1 : vector<256x1xi32> to vector<256x256xi32>
    %eq3A_66 = arith.cmpi eq, %eq3A_64, %eq3A_65 : vector<256x256xi32>
    %convert_element_type3A_67 = arith.extui %eq3A_66 : vector<256x256xi1> to vector<256x256xi32>
    %convert_element_type3A_68 = arith.sitofp %convert_element_type3A_67 : vector<256x256xi32> to vector<256x256xf32>
    %convert_element_type3A_69 = arith.truncf %convert_element_type3A_68 : vector<256x256xf32> to vector<256x256xbf16>
    %get3A_70 = arith.constant 1024 : index
    %get3A_71 = arith.constant 0 : index
    %get3A_72 = vector.load %arg2[%get3A_70, %get3A_71] : memref<3584x768xbf16, #tpu.memory_space<vmem>>, vector<256x768xbf16>
    %dot_general3A_73 = arith.constant dense<0.000000e+00> : vector<256x768xf32>
    %dot_general3A_74 = tpu.matmul %convert_element_type3A_69, %get3A_72, %dot_general3A_73 {dimension_numbers = #tpu.dot_dimension_numbers<[1], [0], [0], [1], [0, 0, 1, 1], [], []>, transpose_lhs_hint = false} : vector<256x256xbf16>, vector<256x768xbf16>, vector<256x768xf32> -> vector<256x768xf32>
    %add3A_75 = arith.addf %add3A_60, %dot_general3A_74 : vector<256x768xf32>
    %get3A_76 = arith.constant 0 : index
    %get3A_77 = arith.constant 1280 : index
    %get3A_78 = vector.load %arg1[%get3A_76, %get3A_77] : memref<1x3584xi32, #tpu.memory_space<vmem>>, vector<1x256xi32>
    %eq3A_79 = vector.broadcast %get3A_78 : vector<1x256xi32> to vector<256x256xi32>
    %eq3A_80 = vector.broadcast %add3A_1 : vector<256x1xi32> to vector<256x256xi32>
    %eq3A_81 = arith.cmpi eq, %eq3A_79, %eq3A_80 : vector<256x256xi32>
    %convert_element_type3A_82 = arith.extui %eq3A_81 : vector<256x256xi1> to vector<256x256xi32>
    %convert_element_type3A_83 = arith.sitofp %convert_element_type3A_82 : vector<256x256xi32> to vector<256x256xf32>
    %convert_element_type3A_84 = arith.truncf %convert_element_type3A_83 : vector<256x256xf32> to vector<256x256xbf16>
    %get3A_85 = arith.constant 1280 : index
    %get3A_86 = arith.constant 0 : index
    %get3A_87 = vector.load %arg2[%get3A_85, %get3A_86] : memref<3584x768xbf16, #tpu.memory_space<vmem>>, vector<256x768xbf16>
    %dot_general3A_88 = arith.constant dense<0.000000e+00> : vector<256x768xf32>
    %dot_general3A_89 = tpu.matmul %convert_element_type3A_84, %get3A_87, %dot_general3A_88 {dimension_numbers = #tpu.dot_dimension_numbers<[1], [0], [0], [1], [0, 0, 1, 1], [], []>, transpose_lhs_hint = false} : vector<256x256xbf16>, vector<256x768xbf16>, vector<256x768xf32> -> vector<256x768xf32>
    %add3A_90 = arith.addf %add3A_75, %dot_general3A_89 : vector<256x768xf32>
    %get3A_91 = arith.constant 0 : index
    %get3A_92 = arith.constant 1536 : index
    %get3A_93 = vector.load %arg1[%get3A_91, %get3A_92] : memref<1x3584xi32, #tpu.memory_space<vmem>>, vector<1x256xi32>
    %eq3A_94 = vector.broadcast %get3A_93 : vector<1x256xi32> to vector<256x256xi32>
    %eq3A_95 = vector.broadcast %add3A_1 : vector<256x1xi32> to vector<256x256xi32>
    %eq3A_96 = arith.cmpi eq, %eq3A_94, %eq3A_95 : vector<256x256xi32>
    %convert_element_type3A_97 = arith.extui %eq3A_96 : vector<256x256xi1> to vector<256x256xi32>
    %convert_element_type3A_98 = arith.sitofp %convert_element_type3A_97 : vector<256x256xi32> to vector<256x256xf32>
    %convert_element_type3A_99 = arith.truncf %convert_element_type3A_98 : vector<256x256xf32> to vector<256x256xbf16>
    %get3A_100 = arith.constant 1536 : index
    %get3A_101 = arith.constant 0 : index
    %get3A_102 = vector.load %arg2[%get3A_100, %get3A_101] : memref<3584x768xbf16, #tpu.memory_space<vmem>>, vector<256x768xbf16>
    %dot_general3A_103 = arith.constant dense<0.000000e+00> : vector<256x768xf32>
    %dot_general3A_104 = tpu.matmul %convert_element_type3A_99, %get3A_102, %dot_general3A_103 {dimension_numbers = #tpu.dot_dimension_numbers<[1], [0], [0], [1], [0, 0, 1, 1], [], []>, transpose_lhs_hint = false} : vector<256x256xbf16>, vector<256x768xbf16>, vector<256x768xf32> -> vector<256x768xf32>
    %add3A_105 = arith.addf %add3A_90, %dot_general3A_104 : vector<256x768xf32>
    %get3A_106 = arith.constant 0 : index
    %get3A_107 = arith.constant 1792 : index
    %get3A_108 = vector.load %arg1[%get3A_106, %get3A_107] : memref<1x3584xi32, #tpu.memory_space<vmem>>, vector<1x256xi32>
    %eq3A_109 = vector.broadcast %get3A_108 : vector<1x256xi32> to vector<256x256xi32>
    %eq3A_110 = vector.broadcast %add3A_1 : vector<256x1xi32> to vector<256x256xi32>
    %eq3A_111 = arith.cmpi eq, %eq3A_109, %eq3A_110 : vector<256x256xi32>
    %convert_element_type3A_112 = arith.extui %eq3A_111 : vector<256x256xi1> to vector<256x256xi32>
    %convert_element_type3A_113 = arith.sitofp %convert_element_type3A_112 : vector<256x256xi32> to vector<256x256xf32>
    %convert_element_type3A_114 = arith.truncf %convert_element_type3A_113 : vector<256x256xf32> to vector<256x256xbf16>
    %get3A_115 = arith.constant 1792 : index
    %get3A_116 = arith.constant 0 : index
    %get3A_117 = vector.load %arg2[%get3A_115, %get3A_116] : memref<3584x768xbf16, #tpu.memory_space<vmem>>, vector<256x768xbf16>
    %dot_general3A_118 = arith.constant dense<0.000000e+00> : vector<256x768xf32>
    %dot_general3A_119 = tpu.matmul %convert_element_type3A_114, %get3A_117, %dot_general3A_118 {dimension_numbers = #tpu.dot_dimension_numbers<[1], [0], [0], [1], [0, 0, 1, 1], [], []>, transpose_lhs_hint = false} : vector<256x256xbf16>, vector<256x768xbf16>, vector<256x768xf32> -> vector<256x768xf32>
    %add3A_120 = arith.addf %add3A_105, %dot_general3A_119 : vector<256x768xf32>
    %get3A_121 = arith.constant 0 : index
    %get3A_122 = arith.constant 2048 : index
    %get3A_123 = vector.load %arg1[%get3A_121, %get3A_122] : memref<1x3584xi32, #tpu.memory_space<vmem>>, vector<1x256xi32>
    %eq3A_124 = vector.broadcast %get3A_123 : vector<1x256xi32> to vector<256x256xi32>
    %eq3A_125 = vector.broadcast %add3A_1 : vector<256x1xi32> to vector<256x256xi32>
    %eq3A_126 = arith.cmpi eq, %eq3A_124, %eq3A_125 : vector<256x256xi32>
    %convert_element_type3A_127 = arith.extui %eq3A_126 : vector<256x256xi1> to vector<256x256xi32>
    %convert_element_type3A_128 = arith.sitofp %convert_element_type3A_127 : vector<256x256xi32> to vector<256x256xf32>
    %convert_element_type3A_129 = arith.truncf %convert_element_type3A_128 : vector<256x256xf32> to vector<256x256xbf16>
    %get3A_130 = arith.constant 2048 : index
    %get3A_131 = arith.constant 0 : index
    %get3A_132 = vector.load %arg2[%get3A_130, %get3A_131] : memref<3584x768xbf16, #tpu.memory_space<vmem>>, vector<256x768xbf16>
    %dot_general3A_133 = arith.constant dense<0.000000e+00> : vector<256x768xf32>
    %dot_general3A_134 = tpu.matmul %convert_element_type3A_129, %get3A_132, %dot_general3A_133 {dimension_numbers = #tpu.dot_dimension_numbers<[1], [0], [0], [1], [0, 0, 1, 1], [], []>, transpose_lhs_hint = false} : vector<256x256xbf16>, vector<256x768xbf16>, vector<256x768xf32> -> vector<256x768xf32>
    %add3A_135 = arith.addf %add3A_120, %dot_general3A_134 : vector<256x768xf32>
    %get3A_136 = arith.constant 0 : index
    %get3A_137 = arith.constant 2304 : index
    %get3A_138 = vector.load %arg1[%get3A_136, %get3A_137] : memref<1x3584xi32, #tpu.memory_space<vmem>>, vector<1x256xi32>
    %eq3A_139 = vector.broadcast %get3A_138 : vector<1x256xi32> to vector<256x256xi32>
    %eq3A_140 = vector.broadcast %add3A_1 : vector<256x1xi32> to vector<256x256xi32>
    %eq3A_141 = arith.cmpi eq, %eq3A_139, %eq3A_140 : vector<256x256xi32>
    %convert_element_type3A_142 = arith.extui %eq3A_141 : vector<256x256xi1> to vector<256x256xi32>
    %convert_element_type3A_143 = arith.sitofp %convert_element_type3A_142 : vector<256x256xi32> to vector<256x256xf32>
    %convert_element_type3A_144 = arith.truncf %convert_element_type3A_143 : vector<256x256xf32> to vector<256x256xbf16>
    %get3A_145 = arith.constant 2304 : index
    %get3A_146 = arith.constant 0 : index
    %get3A_147 = vector.load %arg2[%get3A_145, %get3A_146] : memref<3584x768xbf16, #tpu.memory_space<vmem>>, vector<256x768xbf16>
    %dot_general3A_148 = arith.constant dense<0.000000e+00> : vector<256x768xf32>
    %dot_general3A_149 = tpu.matmul %convert_element_type3A_144, %get3A_147, %dot_general3A_148 {dimension_numbers = #tpu.dot_dimension_numbers<[1], [0], [0], [1], [0, 0, 1, 1], [], []>, transpose_lhs_hint = false} : vector<256x256xbf16>, vector<256x768xbf16>, vector<256x768xf32> -> vector<256x768xf32>
    %add3A_150 = arith.addf %add3A_135, %dot_general3A_149 : vector<256x768xf32>
    %get3A_151 = arith.constant 0 : index
    %get3A_152 = arith.constant 2560 : index
    %get3A_153 = vector.load %arg1[%get3A_151, %get3A_152] : memref<1x3584xi32, #tpu.memory_space<vmem>>, vector<1x256xi32>
    %eq3A_154 = vector.broadcast %get3A_153 : vector<1x256xi32> to vector<256x256xi32>
    %eq3A_155 = vector.broadcast %add3A_1 : vector<256x1xi32> to vector<256x256xi32>
    %eq3A_156 = arith.cmpi eq, %eq3A_154, %eq3A_155 : vector<256x256xi32>
    %convert_element_type3A_157 = arith.extui %eq3A_156 : vector<256x256xi1> to vector<256x256xi32>
    %convert_element_type3A_158 = arith.sitofp %convert_element_type3A_157 : vector<256x256xi32> to vector<256x256xf32>
    %convert_element_type3A_159 = arith.truncf %convert_element_type3A_158 : vector<256x256xf32> to vector<256x256xbf16>
    %get3A_160 = arith.constant 2560 : index
    %get3A_161 = arith.constant 0 : index
    %get3A_162 = vector.load %arg2[%get3A_160, %get3A_161] : memref<3584x768xbf16, #tpu.memory_space<vmem>>, vector<256x768xbf16>
    %dot_general3A_163 = arith.constant dense<0.000000e+00> : vector<256x768xf32>
    %dot_general3A_164 = tpu.matmul %convert_element_type3A_159, %get3A_162, %dot_general3A_163 {dimension_numbers = #tpu.dot_dimension_numbers<[1], [0], [0], [1], [0, 0, 1, 1], [], []>, transpose_lhs_hint = false} : vector<256x256xbf16>, vector<256x768xbf16>, vector<256x768xf32> -> vector<256x768xf32>
    %add3A_165 = arith.addf %add3A_150, %dot_general3A_164 : vector<256x768xf32>
    %get3A_166 = arith.constant 0 : index
    %get3A_167 = arith.constant 2816 : index
    %get3A_168 = vector.load %arg1[%get3A_166, %get3A_167] : memref<1x3584xi32, #tpu.memory_space<vmem>>, vector<1x256xi32>
    %eq3A_169 = vector.broadcast %get3A_168 : vector<1x256xi32> to vector<256x256xi32>
    %eq3A_170 = vector.broadcast %add3A_1 : vector<256x1xi32> to vector<256x256xi32>
    %eq3A_171 = arith.cmpi eq, %eq3A_169, %eq3A_170 : vector<256x256xi32>
    %convert_element_type3A_172 = arith.extui %eq3A_171 : vector<256x256xi1> to vector<256x256xi32>
    %convert_element_type3A_173 = arith.sitofp %convert_element_type3A_172 : vector<256x256xi32> to vector<256x256xf32>
    %convert_element_type3A_174 = arith.truncf %convert_element_type3A_173 : vector<256x256xf32> to vector<256x256xbf16>
    %get3A_175 = arith.constant 2816 : index
    %get3A_176 = arith.constant 0 : index
    %get3A_177 = vector.load %arg2[%get3A_175, %get3A_176] : memref<3584x768xbf16, #tpu.memory_space<vmem>>, vector<256x768xbf16>
    %dot_general3A_178 = arith.constant dense<0.000000e+00> : vector<256x768xf32>
    %dot_general3A_179 = tpu.matmul %convert_element_type3A_174, %get3A_177, %dot_general3A_178 {dimension_numbers = #tpu.dot_dimension_numbers<[1], [0], [0], [1], [0, 0, 1, 1], [], []>, transpose_lhs_hint = false} : vector<256x256xbf16>, vector<256x768xbf16>, vector<256x768xf32> -> vector<256x768xf32>
    %add3A_180 = arith.addf %add3A_165, %dot_general3A_179 : vector<256x768xf32>
    %get3A_181 = arith.constant 0 : index
    %get3A_182 = arith.constant 3072 : index
    %get3A_183 = vector.load %arg1[%get3A_181, %get3A_182] : memref<1x3584xi32, #tpu.memory_space<vmem>>, vector<1x256xi32>
    %eq3A_184 = vector.broadcast %get3A_183 : vector<1x256xi32> to vector<256x256xi32>
    %eq3A_185 = vector.broadcast %add3A_1 : vector<256x1xi32> to vector<256x256xi32>
    %eq3A_186 = arith.cmpi eq, %eq3A_184, %eq3A_185 : vector<256x256xi32>
    %convert_element_type3A_187 = arith.extui %eq3A_186 : vector<256x256xi1> to vector<256x256xi32>
    %convert_element_type3A_188 = arith.sitofp %convert_element_type3A_187 : vector<256x256xi32> to vector<256x256xf32>
    %convert_element_type3A_189 = arith.truncf %convert_element_type3A_188 : vector<256x256xf32> to vector<256x256xbf16>
    %get3A_190 = arith.constant 3072 : index
    %get3A_191 = arith.constant 0 : index
    %get3A_192 = vector.load %arg2[%get3A_190, %get3A_191] : memref<3584x768xbf16, #tpu.memory_space<vmem>>, vector<256x768xbf16>
    %dot_general3A_193 = arith.constant dense<0.000000e+00> : vector<256x768xf32>
    %dot_general3A_194 = tpu.matmul %convert_element_type3A_189, %get3A_192, %dot_general3A_193 {dimension_numbers = #tpu.dot_dimension_numbers<[1], [0], [0], [1], [0, 0, 1, 1], [], []>, transpose_lhs_hint = false} : vector<256x256xbf16>, vector<256x768xbf16>, vector<256x768xf32> -> vector<256x768xf32>
    %add3A_195 = arith.addf %add3A_180, %dot_general3A_194 : vector<256x768xf32>
    %get3A_196 = arith.constant 0 : index
    %get3A_197 = arith.constant 3328 : index
    %get3A_198 = vector.load %arg1[%get3A_196, %get3A_197] : memref<1x3584xi32, #tpu.memory_space<vmem>>, vector<1x256xi32>
    %eq3A_199 = vector.broadcast %get3A_198 : vector<1x256xi32> to vector<256x256xi32>
    %eq3A_200 = vector.broadcast %add3A_1 : vector<256x1xi32> to vector<256x256xi32>
    %eq3A_201 = arith.cmpi eq, %eq3A_199, %eq3A_200 : vector<256x256xi32>
    %convert_element_type3A_202 = arith.extui %eq3A_201 : vector<256x256xi1> to vector<256x256xi32>
    %convert_element_type3A_203 = arith.sitofp %convert_element_type3A_202 : vector<256x256xi32> to vector<256x256xf32>
    %convert_element_type3A_204 = arith.truncf %convert_element_type3A_203 : vector<256x256xf32> to vector<256x256xbf16>
    %get3A_205 = arith.constant 3328 : index
    %get3A_206 = arith.constant 0 : index
    %get3A_207 = vector.load %arg2[%get3A_205, %get3A_206] : memref<3584x768xbf16, #tpu.memory_space<vmem>>, vector<256x768xbf16>
    %dot_general3A_208 = arith.constant dense<0.000000e+00> : vector<256x768xf32>
    %dot_general3A_209 = tpu.matmul %convert_element_type3A_204, %get3A_207, %dot_general3A_208 {dimension_numbers = #tpu.dot_dimension_numbers<[1], [0], [0], [1], [0, 0, 1, 1], [], []>, transpose_lhs_hint = false} : vector<256x256xbf16>, vector<256x768xbf16>, vector<256x768xf32> -> vector<256x768xf32>
    %add3A_210 = arith.addf %add3A_195, %dot_general3A_209 : vector<256x768xf32>
    %swap3A = arith.constant 0 : index
    %swap3A_211 = arith.constant 0 : index
    %swap3A_212 = vector.load %arg4[%swap3A, %swap3A_211] : memref<256x768xf32, #tpu.memory_space<vmem>>, vector<256x768xf32>
    tpu.vector_store %arg4[%swap3A, %swap3A_211], %add3A_210 {strides = array<i32>} : memref<256x768xf32, #tpu.memory_space<vmem>>, vector<256x768xf32>,
    return
  }
  func.func @transform_0(%arg0: i32) -> (i32, i32) {
    %c0_i32 = arith.constant 0 : i32
    %c0_i32_0 = arith.constant 0 : i32
    %c0_i32_1 = arith.constant 0 : i32
    return %c0_i32, %c0_i32_0 : i32, i32
  }
  func.func @transform_1(%arg0: i32) -> (i32, i32) {
    %c0_i32 = arith.constant 0 : i32
    %c0_i32_0 = arith.constant 0 : i32
    %c0_i32_1 = arith.constant 0 : i32
    return %c0_i32, %c0_i32_0 : i32, i32
  }
  func.func @transform_2(%arg0: i32) -> (i32, i32) {
    %c0_i32 = arith.constant 0 : i32
    %c0_i32_0 = arith.constant 0 : i32
    return %arg0, %c0_i32 : i32, i32
  }
  func.func @transform_3(%arg0: i32) -> (i32, i32) {
    %c0_i32 = arith.constant 0 : i32
    %c0_i32_0 = arith.constant 0 : i32
    return %arg0, %c0_i32 : i32, i32
  }
}

</mosaic_0001>

<sc_bundles>
// kernel: kernel.7.cloned.1.call-start
scs
__scs_entry_jumppad:
0x0: {  	(pc) =	sbr.rel $0x88, $3  }
0x1: {  	(tag) =	ssettag $0x0;
	lr =	simm.s32 $0x1  }
0x2: {  	[smem:$0x3F96] =	sst lr;
	_ =	strace $0xD0000000  }
0x3: {  	_ = 	snop  }
0x4: {  	_ = 	snop  }
0x5: {  	_ = 	snop  }
0x6: {  	_ = 	snop  }
0x7: {  	_ = 	snop  }
__scs_overlays_trampoline_lowered:
0x8: {  	[smem:$0x3FA5] =	sst s0  }
0x9: {  	[smem:$0x3FA6] =	sst s1  }
0xa: {  	[smem:$0x3FA7] =	sst s2  }
0xb: {  	[smem:$0x3FA8] =	sst s3  }
0xc: {  	[smem:$0x3FA9] =	sst s4  }
0xd: {  	[smem:$0x3FAA] =	sst s5  }
0xe: {  	[smem:$0x3FAB] =	sst s6  }
0xf: {  	[smem:$0x3FAC] =	sst s7  }
0x10: {  	[smem:$0x3FAD] =	sst s8  }
0x11: {  	[smem:$0x3FAE] =	sst s9;
	s0 =	simm.s32 @!p0 $0x0  }
0x12: {  	s1 =	sld [smem:$0x3F94];
	s0 =	simm.s32 @p0 $0x1  }
0x13: {  	[smem:$0x3FAF] =	sst s0;
	s0 =	simm.s32 @!p1 $0x0  }
0x14: {  	s2 =	sld [smem:$0x3F93];
	s0 =	simm.s32 @p1 $0x1  }
0x15: {  	[smem:$0x3FB0] =	sst s0;
	s0 =	simm.s32 @!p2 $0x0  }
0x16: {  	s3 =	sld [smem:$0x3FDB];
	s0 =	simm.s32 @p2 $0x1  }
0x17: {  	s4 =	simm.s32 $0x1BF5;
	[smem:$0x3FB2] =	sst s0  }
0x18: {  	s0 =	sld [smem:$0x3F95];
	_ =	swait.ge [sflag:s4], $0x0  }
0x19: {  	s7 =	sld [smem:$0x3F96]  }
0x1a: {  	s8 =	sadd.s32 $0xFFFFE003, lr  }
0x1b: {  	s9 =	sadd.s32 $0xFFFFFEF7, lr;
	s5 =	simm.s32 $0xFFFFFFFF;
	p2 =	slt.u32 s8, $0xFFFFF086  }
0x1c: {  	p1 =	slt.u32 s9, $0xF7A;
	s5 =	simm.s32 @!p2 $0x0  }
0x1d: {  	s5 =	simm.s32 @p1 $0x1;
	p0 =	seq.s32 s7, s2  }
0x1e: {  	s7 =	smul.u32 @!p0 $0xF7A, s2;
	p2 =	seq.s32 @!p0 s5, $0x0  }
0x1f: {  	s9 =	smul.u32 $0xF7A, s1;
	s8 =	simm.s32 @!p0 $0x1BF5;
	p2 =	por !p2, p0  }
0x20: {  	[sflag:s8] =	ssyncset.s32 @!p0 $0xFFFFF086;
	s6 =	sadd.s32 @!p0 s3, s7;
	s7 =	simm.s32 @!p0 $0x108  }
0x21: {  	s3 =	sadd.s32 s3, s9;
	s6 =	sadd.s32 @!p0 $0x88, s6;
	s7 =	simm.s32 @p2 $0x1082  }
0x22: {  	[simem:s7], [sflag:s8] =	dma.local @!p0 [hbm:s6], $0xF7A  }
0x23: {  	s9 =	sor.u32 $0xD0000000, s2;
	s6 =	simm.s32 $0x108;
	_ =	swait.ge @!p0 [sflag:s8], $0x0  }
0x24: {  	s3 =	sadd.s32 $0x88, s3;
	s6 =	simm.s32 @!p1 $0x1082;
	[sflag:s4] =	ssyncset.s32 $0xFFFFF086  }
0x25: {  	[simem:s6], [sflag:s4] =	dma.local [hbm:s3], $0xF7A  }
0x26: {  	[smem:$0x3F96] =	sst s1;
	(tag) =	ssettag s2;
	_ =	strace s9  }
0x27: {  	s1 =	sld [smem:$0x3FA6]  }
0x28: {  	s2 =	sld [smem:$0x3FA7]  }
0x29: {  	s4 =	sld [smem:$0x3FA9]  }
0x2a: {  	p0 =	seq.s32 s5, $0x0;
	s5 =	sld [smem:$0x3FAA]  }
0x2b: {  	s6 =	sld [smem:$0x3FAB]  }
0x2c: {  	s7 =	sld [smem:$0x3FAC]  }
0x2d: {  	s3 =	simm.s32 $0x108;
	s8 =	sld [smem:$0x3FAD]  }
0x2e: {  	s3 =	simm.s32 @!p0 $0x1082;
	s9 =	sld [smem:$0x3FAE]  }
0x2f: {  	lr =	sadd.s32 s0, s3;
	s0 =	sld [smem:$0x3FA5]  }
0x30: {  	s3 =	sld [smem:$0x3FA8]  }
0x31: {  	[smem:$0x3FB1] =	sst s10  }
0x32: {  	s10 =	sld [smem:$0x3FAF];
	_ =	sdelay $0x3  }
0x33: {  	p0 =	seq.s32 s10, $0x1;
	s10 =	sld [smem:$0x3FB1];
	_ =	sdelay $0x3  }
0x34: {  	[smem:$0x3FB1] =	sst s10  }
0x35: {  	s10 =	sld [smem:$0x3FB0];
	_ =	sdelay $0x3  }
0x36: {  	p1 =	seq.s32 s10, $0x1;
	s10 =	sld [smem:$0x3FB1];
	_ =	sdelay $0x3  }
0x37: {  	[smem:$0x3FB1] =	sst s10  }
0x38: {  	s10 =	sld [smem:$0x3FB2]  }
0x39: {  	_ = 	snop;
	(pc) =	sbr.ind lr, $3  }
0x3a: {  	_ = 	snop  }
0x3b: {  	_ = 	snop  }
0x3c: {  	p2 =	seq.s32 s10, $0x1;
	s10 =	sld [smem:$0x3FB1]  }
0x3d: {  	_ =	shalt  }
0x3e: {  	_ =	shalt  }
0x3f: {  	_ =	shalt  }
0x40: {  	_ =	shalt  }
0x41: {  	_ =	shalt  }
0x42: {  	_ =	shalt  }
0x43: {  	_ =	shalt  }
0x44: {  	_ =	shalt  }
0x45: {  	_ =	shalt  }
0x46: {  	_ =	shalt  }
0x47: {  	_ =	shalt  }
0x48: {  	_ =	shalt  }
0x49: {  	_ =	shalt  }
0x4a: {  	_ =	shalt  }
0x4b: {  	_ =	shalt  }
0x4c: {  	_ =	shalt  }
0x4d: {  	_ =	shalt  }
0x4e: {  	_ =	shalt  }
0x4f: {  	_ =	shalt  }
0x50: {  	_ =	shalt  }
0x51: {  	_ =	shalt  }
0x52: {  	_ =	shalt  }
0x53: {  	_ =	shalt  }
0x54: {  	_ =	shalt  }
0x55: {  	_ =	shalt  }
0x56: {  	_ =	shalt  }
0x57: {  	_ =	shalt  }
0x58: {  	_ =	shalt  }
0x59: {  	_ =	shalt  }
0x5a: {  	_ =	shalt  }
0x5b: {  	_ =	shalt  }
0x5c: {  	_ =	shalt  }
0x5d: {  	_ =	shalt  }
0x5e: {  	_ =	shalt  }
0x5f: {  	_ =	shalt  }
0x60: {  	_ =	shalt  }
0x61: {  	_ =	shalt  }
0x62: {  	_ =	shalt  }
0x63: {  	_ =	shalt  }
0x64: {  	_ =	shalt  }
0x65: {  	_ =	shalt  }
0x66: {  	_ =	shalt  }
0x67: {  	_ =	shalt  }
0x68: {  	_ =	shalt  }
0x69: {  	_ =	shalt  }
0x6a: {  	_ =	shalt  }
0x6b: {  	_ =	shalt  }
0x6c: {  	_ =	shalt  }
0x6d: {  	_ =	shalt  }
0x6e: {  	_ =	shalt  }
0x6f: {  	_ =	shalt  }
0x70: {  	_ =	shalt  }
0x71: {  	_ =	shalt  }
0x72: {  	_ =	shalt  }
0x73: {  	_ =	shalt  }
0x74: {  	_ =	shalt  }
0x75: {  	_ =	shalt  }
0x76: {  	_ =	shalt  }
0x77: {  	_ =	shalt  }
0x78: {  	_ =	shalt  }
0x79: {  	_ =	shalt  }
0x7a: {  	_ =	shalt  }
0x7b: {  	_ =	shalt  }
0x7c: {  	_ =	shalt  }
0x7d: {  	_ =	shalt  }
0x7e: {  	_ =	shalt  }
0x7f: {  	_ =	shalt  }
0x80: {  	_ =	shalt  }
0x81: {  	_ =	shalt  }
0x82: {  	_ =	shalt  }
0x83: {  	_ =	shalt  }
0x84: {  	_ =	shalt  }
0x85: {  	_ =	shalt  }
0x86: {  	_ =	shalt  }
0x87: {  	_ =	shalt  }
.Lfunc_end0:
.L_simem_size_0:
called_computation_lowered:
.L_overlay_start_0:
0x88: {  	s2 =	sld [smem:$0x3FD9]  }
0x89: {  	s3 =	sld [smem:$0x3FFE];
	_ =	sdelay $0x1  }
0x8a: {  	s1 =	srdreg.scid  }
0x8b: {  	s0 =	sand.u32 $0x1, s1  }
0x8c: {  	s17 =	sshll.u32 s0, $0xA;
	s2 =	sadd.s32 s3, s2  }
0x8d: {  	s2 =	sadd.s32 s2, s17  }
0x8e: {  	[smem:$0x3FBD] =	sst s2  }
0x8f: {  	_ = 	snop  }
0x90: {  	s2 =	sld [smem:$0x3FD0];
	(tm) =	ssettm $0x1  }
0x91: {  	s18 =	sld [smem:$0x3FFB];
	_ =	sdelay $0x3  }
0x92: {  	_ =	strace s18  }
0x93: {  	s3 =	sld [smem:$0x3FFC];
	_ =	sdelay $0x3  }
0x94: {  	_ =	strace s3  }
0x95: {  	s3 =	sld [smem:$0x3FFD];
	_ =	sdelay $0x3  }
0x96: {  	_ =	strace s3  }
0x97: {  	_ =	strace $0x8FFFFFFF  }
0x98: {  	s19 =	sld [smem:$0x3FDB];
	_ =	sdelay $0x1  }
0x99: {  	s4 =	simm.s32 $_scs_section_size  }
0x9a: {  	s5 =	simm.s32 $_size__tile_overlayer_lowered;
	s6 =	simm.s32 $_tile_overlayer_lowered  }
0x9b: {  	s22 =	simm.s32 $0x1BFF;
	s21 =	sshll.u32 s6, $0x1;
	s3 =	sadd.s32 s4, s19  }
0x9c: {  	s7 =	simm.s32 $0x0;
	s20 =	sshll.u32 s5, $0x1;
	s5 =	sadd.s32 s21, s3  }
0x9d: {  	[timem:s7], [sflag:s22] =	dma.local [hbm:s5], s20  }
0x9e: {  	_ =	swait.ge [sflag:s22], s20  }
0x9f: {  	s4 =	ssub.s32 $0x0, s20;
	[sflag:s22] =	ssyncset.done $0x0  }
0xa0: {  	[sflag:s22] =	ssyncadd.s32 s4;
	_ =	sdelay $0x1  }
0xa1: {  	s23 =	simm.s32 $0x1B8B  }
0xa2: {  	_ =	swait.ge [sflag:s23], $0x1  }
0xa3: {  	[sflag:s23] =	ssyncset.done $0x0  }
0xa4: {  	s25 =	simm.s32 $0x1B8E;
	s24 =	sld [smem:$0x3FFE];
	[sflag:s23] =	ssyncadd.s32 $0xFFFFFFFF  }
0xa5: {  	s26 =	simm.s32 $execute0_lowered;
	[smem:$0x3FD2] =	sst s25  }
0xa6: {  	s5 =	sshll.u32 s26, $0x1;
	_ =	strace $0x80000046;
	[dreg:$0x1] =	wrdreg $0xFFFFFFFF  }
0xa7: {  	s28 =	simm.s32 $_size_execute0_lowered;
	s3 =	sadd.s32 s3, s5;
	[dreg:$0x0] =	wrdreg $0x0  }
0xa8: {  	s5 =	sshll.u32 s28, $0x1;
	[dreg:$0x2] =	wrdreg s3  }
0xa9: {  	[dreg:$0x3] =	wrdreg s5  }
0xaa: {  	[dreg:$0x4] =	wrdreg $0xC0  }
0xab: {  	_ =	task [dreg:s7], $0x5FFFF  }
0xac: {  	[dreg:$0x1] =	wrdreg $0xFFFFFFFF  }
0xad: {  	[dreg:$0x0] =	wrdreg $0x60  }
0xae: {  	[dreg:$0x2] =	wrdreg s24  }
0xaf: {  	[dreg:$0x3] =	wrdreg s2  }
0xb0: {  	[dreg:$0x4] =	wrdreg $0x9  }
0xb1: {  	_ =	task.clear_ibuf [dreg:s7], $0x5FFFF;
	_ =	strace $0x90000046  }
0xb2: {  	s29 =	simm.s32 $0x9;
	_ =	strace $0x80000048  }
0xb3: {  	_ =	swait.ge [sflag:s29], $0x1  }
0xb4: {  	[sflag:s29] =	ssyncadd.s32 $0xFFFFFFFF  }
0xb5: {  	_ =	strace $0x90000048  }
0xb6: {  	_ =	sfence  }
0xb7: {  	s30 =	sld [smem:$0x0];
	_ =	sdelay $0x2  }
0xb8: {  	s31 =	sshll.u32 s1, $0xD;
	s1 =	sshrl.u32 s1, $0x2  }
0xb9: {  	s3 =	sand.u32 $0x4000, s31;
	s1 =	sadd.s32 s1, s30  }
0xba: {  	s0 =	sor.u32 s3, s0;
	s1 =	sshll.u32 s1, $0x11  }
0xbb: {  	s0 =	sor.u32 s1, s0  }
0xbc: {  	s0 =	sadd.s32 $0x8F2B, s0  }
0xbd: {  	[sflag:s0] =	ssyncadd.remote.s32 $0x1  }
0xbe: {  	_ =	sfence.sel $0xFFFF  }
0xbf: {  	[dreg:$0x0] =	wrdreg $0xFFFFFFFF;
	(pc) =	sbr.abs _section_cstart, $3  }
0xc0: {  	[dreg:$0x1] =	wrdreg $0xFFFFFFFF  }
0xc1: {  	_ =	task.clear_ibuf [dreg:s7], $0x2FFFF;
	_ =	strace $0x9FFFFFFF  }
0xc2: {  	(tm) =	ssettm $0x7FFFFFFF  }
0xc3: {  	_ =	shalt  }
tec
execute0_lowered:
.L_overlay_start_1:
0x0: {  	(tag) =	ssettag $0x1  }
0x1: {  	s0 =	srdreg.scid  }
0x2: {  	s31 =	stileid.u32;
	s4 =	sand.u32 $0x1, s0  }
0x3: {  	s3 =	sor.u32 s4, s31  }
0x4: {  	p0 =	sne.s32 s3, $0x0  }
.Ltmp0:
0x5: {  	_ = 	snop;
	(pc) =	sbr.rel @p0 .LBB2_9-.Ltmp0, $3  }
0x6: {  	_ =	sdelay $0x1  }
0x7: {  	s6 =	rddreg [dreg:$0x0]  }
0x8: {  	s2 =	rddreg [dreg:$0x1];
	_ =	strace $0x80000047  }
0x9: {  	s3 =	sadd.s32 $0x1000, s6;
	s7 =	ssub.s32 $0x2, s4  }
0xa: {  	s4 =	sadd.s32 $0x1200, s6;
	s5 =	sadd.s32 $0x1400, s6;
	s6 =	sadd.s32 $0x1600, s6  }
0xb: {  	s9 =	simm.s32 $0x1;
	s10 =	simm.s32 $0x800;
	s11 =	simm.s32 $0x1000  }
0xc: {  	v0 =	vimm.s32 $0x0;
	v1 =	vlaneseq.u32;
	s12 =	simm.s32 $0x1E00;
	s13 =	simm.s32 $0x2C00;
	s8 =	sshrl.u32 s7, $0x1  }
0xd: {  	v3 =	vimm.s32 $0x800;
	v4 =	vimm.f32 $0.0e+00;
	s14 =	simm.s32 $0x0;
	v2 =	vadd.s32 $0x1, v1;
	s7 =	ssub.s32 s7, s8;
	s8 =	simm.s32 $0x0  }
.LBB2_2:
0xe: {  	[tilespmem:s8], [sflag:$0x1] =	stream.linear.gather [hbm4b:s3+s8], $0x800, $0x38;
	[tilespmem:$0x2C80] =	vst v63  }
0xf: {  	_ =	swait.ge [sflag:s9], $0x800  }
0x10: {  	[sflag:s9] =	ssyncset.done $0x0  }
0x11: {  	[sflag:s9] =	ssyncadd.s32 $0xFFFFF800  }
0x12: {  	[tilespmem:s10], [sflag:$0x1] =	stream.linear.gather [hbm4b:s4+s8], $0x800, $0x38;
	[tilespmem:$0x2C80] =	vst v63  }
0x13: {  	_ =	swait.ge [sflag:s9], $0x800  }
0x14: {  	[sflag:s9] =	ssyncset.done $0x0  }
0x15: {  	s15 =	simm.s32 $0x0;
	[sflag:s9] =	ssyncadd.s32 $0xFFFFF800  }
0x16: {  	v5 =	vld [tilespmem:s15+$0x0];
	_ =	sdelay $0x4  }
0x17: {  	s29 =	simm.s32 $0x10;
	vm0 =	veq.s32 v5, $0x0  }
0x18: {  	v7 =	vld [tilespmem:s29+$0x0];
	v6 =	vsel vm0, $0x1, v0;
	vm0 =	veq.s32 v5, $0x3  }
0x19: {  	vm1 =	veq.s32 v5, $0x1;
	v8 =	vsel vm0, $0x1, v0;
	(xrf0) =	vadd.scan.msk.s32 $0xffff, v6  }
0x1a: {  	vm0 =	veq.s32 v5, $0x2;
	v6 =	vsel vm1, $0x1, v0;
	(xrf0) =	vadd.scan.msk.s32 $0xffff, v8  }
0x1b: {  	vm1 =	veq.s32 v5, $0x5;
	v8 =	vsel vm0, $0x1, v0;
	(xrf0) =	vadd.scan.msk.s32 $0xffff, v6  }
0x1c: {  	vm0 =	veq.s32 v5, $0x4;
	v6 =	vsel vm1, $0x1, v0;
	(xrf0) =	vadd.scan.msk.s32 $0xffff, v8  }
0x1d: {  	v5 =	vsel vm0, $0x1, v0;
	vm0 =	veq.s32 v7, $0x0;
	(xrf0) =	vadd.scan.msk.s32 $0xffff, v6  }
0x1e: {  	(xrf0) =	vadd.scan.msk.s32 $0xffff, v5;
	v5 =	vsel vm0, $0x1, v0  }
0x1f: {  	s30 =	simm.s32 $0x20;
	vm0 =	veq.s32 v7, $0x3  }
0x20: {  	v9 =	vld [tilespmem:s30+$0x0];
	v6, _, _ =	vpop (xrf0);
	v8 =	vsel vm0, $0x1, v0;
	(xrf0) =	vadd.scan.msk.s32 $0xffff, v5  }
0x21: {  	vm1 =	veq.s32 v7, $0x1;
	(xrf0) =	vadd.scan.msk.s32 $0xffff, v8;
	v5, _, _ =	vpop (xrf0)  }
0x22: {  	vm0 =	veq.s32 v7, $0x2;
	v8 =	vsel vm1, $0x1, v0;
	(v2sf) =	vpush v6, $0xF;
	v6, _, _ =	vpop (xrf0)  }
0x23: {  	vm1 =	veq.s32 v7, $0x5;
	v10 =	vsel vm0, $0x1, v0;
	(xrf0) =	vadd.scan.msk.s32 $0xffff, v8;
	(v2sf) =	vpush v6, $0xF;
	v6, _, _ =	vpop (xrf0)  }
0x24: {  	vm0 =	veq.s32 v7, $0x4;
	v8 =	vsel vm1, $0x1, v0;
	(xrf0) =	vadd.scan.msk.s32 $0xffff, v10;
	(v2sf) =	vpush v5, $0xF;
	v5, _, _ =	vpop (xrf0)  }
0x25: {  	v7 =	vsel vm0, $0x1, v0;
	vm0 =	veq.s32 v9, $0x0;
	(xrf0) =	vadd.scan.msk.s32 $0xffff, v8;
	(v2sf) =	vpush v6, $0xF;
	v6, _, _ =	vpop (xrf0)  }
0x26: {  	(xrf0) =	vadd.scan.msk.s32 $0xffff, v7;
	v7 =	vsel vm0, $0x1, v0;
	vm0 =	veq.s32 v9, $0x3;
	(v2sf) =	vpush v6, $0xF;
	v6, _, _ =	vpop (xrf0)  }
0x27: {  	vm1 =	veq.s32 v9, $0x1;
	v8, _, _ =	vpop (xrf0);
	(xrf0) =	vadd.scan.msk.s32 $0xffff, v7;
	v7 =	vsel vm0, $0x1, v0  }
0x28: {  	(v2sf) =	vpush v5, $0xF;
	(xrf0) =	vadd.scan.msk.s32 $0xffff, v7;
	v7 =	vsel vm1, $0x1, v0  }
0x29: {  	(v2sf) =	vpush v6, $0xF;
	v6, _, _ =	vpop (xrf0)  }
0x2a: {  	(v2sf) =	vpush v6, $0xF;
	v6, _, _ =	vpop (xrf0)  }
0x2b: {  	(xrf0) =	vadd.scan.msk.s32 $0xffff, v7;
	(v2sf) =	vpush v8, $0xF;
	v7, _, _ =	vpop (xrf0)  }
0x2c: {  	(v2sf) =	vpush v6, $0xF;
	v6, _, _ =	vpop (xrf0)  }
0x2d: {  	(v2sf) =	vpush v6, $0xF  }
0x2e: {  	(v2sf) =	vpush v7, $0xF  }
0x2f: {  	s31 =	simm.s32 $0x30  }
0x30: {  	v5 =	vld [tilespmem:s31+$0x0]  }
0x31: {  	vm0 =	veq.s32 v9, $0x2  }
0x32: {  	vm1 =	veq.s32 v9, $0x5;
	v63 =	vsel vm0, $0x1, v0  }
0x33: {  	s21 =	simm.s32 $0x100;
	vm0 =	veq.s32 v9, $0x4;
	v8 =	vsel vm1, $0x1, v0;
	(xrf0) =	vadd.scan.msk.s32 $0xffff, v63  }
0x34: {  	s17 =	simm.s32 $0x0;
	s16 =	simm.s32 $0x0;
	s19 =	simm.s32 $0x0;
	v9 =	vsel vm0, $0x1, v0;
	(xrf0) =	vadd.scan.msk.s32 $0xffff, v8  }
0x35: {  	s20 =	simm.s32 $0x0;
	s18 =	simm.s32 $0x0;
	s15 =	simm.s32 $0x0;
	vm1 =	veq.s32 v5, $0x0;
	vm0 =	veq.s32 v5, $0x1;
	(xrf0) =	vadd.scan.msk.s32 $0xffff, v9;
	v6, _, _ =	vpop (xrf0)  }
.LBB2_3:
0x36: {  	p0 =	sne.s32 s21, $0x1FC0;
	v7 =	vsel vm1, $0x1, v0;
	vm1 =	veq.s32 v5, $0x3;
	vm2 =	veq.s32 v5, $0x5;
	v8, _, _ =	vpop (xrf0);
	s22 =	smov.u32 s21;
	s21 =	sadd.s32 $0x40, s21  }
0x37: {  	vm3 =	veq.s32 v5, $0x2;
	s22 =	sshra.s32 s22, $0x2;
	v9 =	vsel vm1, $0x1, v0;
	v10 =	vsel vm2, $0x1, v0;
	(xrf0) =	vadd.scan.msk.s32 $0xffff, v7;
	s23 =	spop (v2sf)  }
0x38: {  	v7 =	vsel vm3, $0x1, v0;
	vm1 =	veq.s32 v5, $0x4;
	v5 =	vld [tilespmem:s22+$0x0];
	(xrf0) =	vadd.scan.msk.s32 $0xffff, v9;
	(v2sf) =	vpush v6, $0xF;
	v6, _, _ =	vpop (xrf0);
	s17 =	sadd.s32 s17, s23;
	s22 =	spop (v2sf)  }
.Ltmp1:
0x39: {  	v9 =	vsel vm0, $0x1, v0;
	v11 =	vsel vm1, $0x1, v0;
	(v2sf) =	vpush v6, $0xF;
	v6, _, _ =	vpop (xrf0);
	s15 =	sadd.s32 s15, s22;
	s22 =	spop (v2sf);
	(pc) =	sbr.rel @p0 .LBB2_3-.Ltmp1, $4  }
0x3a: {  	(xrf0) =	vadd.scan.msk.s32 $0xffff, v9;
	(v2sf) =	vpush v8, $0xF;
	v8, _, _ =	vpop (xrf0);
	s16 =	sadd.s32 s16, s22;
	s22 =	spop (v2sf)  }
0x3b: {  	(xrf0) =	vadd.scan.msk.s32 $0xffff, v7;
	(v2sf) =	vpush v6, $0xF;
	v6, _, _ =	vpop (xrf0);
	s23 =	spop (v2sf)  }
0x3c: {  	s19 =	sadd.s32 s19, s22;
	(xrf0) =	vadd.scan.msk.s32 $0xffff, v10;
	(v2sf) =	vpush v6, $0xF;
	s20 =	sadd.s32 s20, s23;
	s22 =	spop (v2sf)  }
0x3d: {  	vm1 =	veq.s32 v5, $0x0;
	vm0 =	veq.s32 v5, $0x1;
	v6, _, _ =	vpop (xrf0);
	(xrf0) =	vadd.scan.msk.s32 $0xffff, v11;
	(v2sf) =	vpush v8, $0xF;
	s18 =	sadd.s32 s18, s22  }
0x3e: {  	v7 =	vsel vm1, $0x1, v0  }
0x3f: {  	vm6 =	veq.s32 v5, $0x3  }
0x40: {  	v8 =	vsel vm6, $0x1, v0;
	(xrf0) =	vadd.scan.msk.s32 $0xffff, v7  }
0x41: {  	vm7 =	veq.s32 v5, $0x2;
	v62 =	vsel vm0, $0x1, v0;
	v7, _, _ =	vpop (xrf0);
	(xrf0) =	vadd.scan.msk.s32 $0xffff, v8  }
0x42: {  	vm8 =	veq.s32 v5, $0x5;
	(v2sf) =	vpush v6, $0xF;
	v9 =	vsel vm7, $0x1, v0;
	v6, _, _ =	vpop (xrf0);
	(xrf0) =	vadd.scan.msk.s32 $0xffff, v62  }
0x43: {  	vm9 =	veq.s32 v5, $0x4;
	v63 =	vsel vm8, $0x1, v0;
	(v2sf) =	vpush v6, $0xF;
	v5, _, _ =	vpop (xrf0);
	(xrf0) =	vadd.scan.msk.s32 $0xffff, v9  }
0x44: {  	v6 =	vsel vm9, $0x1, v0;
	(v2sf) =	vpush v7, $0xF;
	v7, _, _ =	vpop (xrf0);
	(xrf0) =	vadd.scan.msk.s32 $0xffff, v63  }
0x45: {  	s21 =	spop (v2sf);
	(v2sf) =	vpush v5, $0xF;
	v5, _, _ =	vpop (xrf0);
	(xrf0) =	vadd.scan.msk.s32 $0xffff, v6  }
0x46: {  	s22 =	spop (v2sf);
	(v2sf) =	vpush v5, $0xF;
	v5, _, _ =	vpop (xrf0)  }
0x47: {  	s23 =	spop (v2sf);
	(v2sf) =	vpush v7, $0xF;
	v6, _, _ =	vpop (xrf0)  }
0x48: {  	s24 =	spop (v2sf);
	(v2sf) =	vpush v5, $0xF;
	v5, _, _ =	vpop (xrf0)  }
0x49: {  	s25 =	spop (v2sf);
	(v2sf) =	vpush v5, $0xF;
	v5, _, _ =	vpop (xrf0)  }
0x4a: {  	s26 =	spop (v2sf);
	(v2sf) =	vpush v6, $0xF;
	v6, _, _ =	vpop (xrf0)  }
0x4b: {  	s28 =	spop (v2sf);
	(v2sf) =	vpush v5, $0xF;
	v5, _, _ =	vpop (xrf0)  }
0x4c: {  	s29 =	spop (v2sf);
	(v2sf) =	vpush v5, $0xF  }
0x4d: {  	s30 =	spop (v2sf)  }
0x4e: {  	s31 =	spop (v2sf);
	(v2sf) =	vpush v6, $0xF  }
0x4f: {  	s1 =	spop (v2sf)  }
0x50: {  	s17 =	sadd.s32 s17, s21;
	s15 =	sadd.s32 s15, s22;
	s0 =	spop (v2sf)  }
0x51: {  	s16 =	sadd.s32 s16, s23;
	s19 =	sadd.s32 s19, s24;
	s21 =	spop (v2sf)  }
0x52: {  	s20 =	sadd.s32 s20, s25;
	s18 =	sadd.s32 s18, s26;
	s23 =	spop (v2sf)  }
0x53: {  	s17 =	sadd.s32 s17, s28;
	s15 =	sadd.s32 s15, s29;
	s25 =	spop (v2sf)  }
0x54: {  	s16 =	sadd.s32 s16, s30;
	s19 =	sadd.s32 s19, s31;
	s28 =	spop (v2sf)  }
0x55: {  	s1 =	sadd.s32 s20, s1;
	s0 =	sadd.s32 s18, s0;
	s30 =	spop (v2sf)  }
0x56: {  	s17 =	sadd.s32 s17, s21;
	s15 =	sadd.s32 s15, s23;
	s31 =	spop (v2sf)  }
0x57: {  	s16 =	sadd.s32 s16, s25;
	s19 =	sadd.s32 s19, s28;
	s21 =	spop (v2sf)  }
0x58: {  	s1 =	sadd.s32 s1, s30;
	s0 =	sadd.s32 s0, s31;
	s26 =	spop (v2sf)  }
0x59: {  	s17 =	sadd.s32 s17, s21;
	s28 =	spop (v2sf);
	s15 =	sadd.s32 s15, s26  }
0x5a: {  	s17 =	sadd.s32 $0xFF, s17;
	s29 =	spop (v2sf);
	s30 =	sadd.s32 s16, s28  }
0x5b: {  	s15 =	sadd.s32 $0xFF, s15;
	s31 =	spop (v2sf);
	s22 =	sadd.s32 s19, s29  }
0x5c: {  	s19 =	sand.u32 $0xFFFFFF00, s17;
	s15 =	sand.u32 $0xFFFFFF00, s15;
	s25 =	sadd.s32 $0xFF, s30  }
0x5d: {  	s17 =	sshra.s32 s17, $0x8;
	s18 =	sadd.s32 $0xFF, s22;
	s23 =	spop (v2sf)  }
0x5e: {  	s16 =	sadd.s32 s19, s15;
	s1 =	sadd.s32 s1, s31;
	s24 =	sand.u32 $0xFFFFFF00, s18  }
0x5f: {  	s0 =	sadd.s32 s0, s23;
	s26 =	sshra.s32 s16, $0x8;
	s15 =	sadd.s32 s24, s16  }
0x60: {  	v5 =	vmov s17;
	s18 =	sand.u32 $0xFFFFFF00, s25;
	s1 =	sadd.s32 $0xFF, s1;
	v6 =	vmov s26;
	s28 =	sshra.s32 s15, $0x8  }
0x61: {  	vm10 =	vlt.s32 v5, v2;
	s1 =	sand.u32 $0xFFFFFF00, s1;
	s0 =	sadd.s32 $0xFF, s0;
	s17 =	sadd.s32 s18, s15;
	vm11 =	vlt.s32 v6, v2;
	v5 =	vmov s28  }
0x62: {  	s0 =	sand.u32 $0xFFFFFF00, s0;
	v6 =	vsel vm10, $0x1, v0;
	s18 =	sadd.s32 s1, s17;
	v7 =	vsel vm11, $0x1, v0;
	s29 =	sshra.s32 s17, $0x8;
	vm12 =	vlt.s32 v5, v2  }
0x63: {  	s20 =	sadd.s32 s0, s18;
	v5 =	vadd.s32 v6, v7;
	v7 =	vmov s29;
	s30 =	sshra.s32 s18, $0x8;
	v6 =	vsel vm12, $0x1, v0  }
0x64: {  	vm13 =	vlt.s32 v7, v2;
	s31 =	sshra.s32 s20, $0x8;
	v5 =	vadd.s32 v6, v5;
	v6 =	vmov s30  }
0x65: {  	v7 =	vsel vm13, $0x1, v0;
	vm14 =	vlt.s32 v6, v2;
	v6 =	vmov s31  }
0x66: {  	v5 =	vadd.s32 v7, v5;
	v7 =	vsel vm14, $0x1, v0;
	vm15 =	vlt.s32 v6, v2  }
0x67: {  	v5 =	vadd.s32 v7, v5;
	v6 =	vsel vm15, $0x1, v0  }
0x68: {  	v5 =	vadd.s32 v6, v5  }
0x69: {  	s21 =	simm.s32 $0x0;
	s23 =	simm.s32 $0x0;
	[tilespmem:$0x2C00] =	vst v5  }
.LBB2_5:
0x6a: {  	p0 =	sne.s32 s21, $0x37C0  }
.Ltmp2:
0x6b: {  	_ = 	snop;
	(pc) =	sbr.rel @p0 .LBB2_5-.Ltmp2, $4  }
0x6c: {  	_ = 	snop  }
0x6d: {  	s0 =	sshra.s32 s21, $0x2  }
0x6e: {  	[tilespmem:s0+$0x1000] =	vst v3  }
0x6f: {  	s21 =	sadd.s32 $0x40, s21;
	[tilespmem:s0+$0x1E00] =	vst v4  }
0x70: {  	v5 =	vld [tilespmem:s23+$0x0];
	_ =	sdelay $0x4  }
0x71: {  	vm5 =	veq.s32 v5, $0x0  }
0x72: {  	vm6 =	veq.s32 v5, $0x1;
	vm4 =	veq.s32 v5, $0x2;
	v6 =	vsel vm5, $0x1, v0  }
0x73: {  	vm3 =	veq.s32 v5, $0x3;
	vm1 =	veq.s32 v5, $0x4;
	v7 =	vsel vm6, $0x1, v0;
	(xrf0) =	vadd.scan.msk.s32 $0xffff, v6  }
0x74: {  	vm0 =	veq.s32 v5, $0x6;
	vm2 =	veq.s32 v5, $0x5;
	v6 =	vsel vm4, $0x1, v0;
	(xrf0) =	vadd.scan.msk.s32 $0xffff, v7  }
0x75: {  	v5 =	vsel vm0, $0xFFFFFFFF, v0;
	v8 =	vsel vm1, $0x1, v0;
	v7 =	vsel vm3, $0x1, v0;
	(xrf0) =	vadd.scan.msk.s32 $0xffff, v6  }
0x76: {  	v9 =	vsel vm2, $0xFFFFFFFF, v0;
	v10 =	vsel vm3, $0xFFFFFFFF, v0;
	v11 =	vsel vm2, $0x1, v0;
	(xrf0) =	vadd.scan.msk.s32 $0xffff, v7  }
0x77: {  	v56 =	vsel vm5, $0xFFFFFFFF, v0;
	v12 =	vsel vm6, $0xFFFFFFFF, v0;
	v13 =	vsel vm0, $0x1, v0;
	(xrf0) =	vadd.scan.msk.s32 $0xffff, v8  }
0x78: {  	v9 =	vadd.s32 s18, v9;
	v5 =	vadd.s32 s20, v5;
	v12 =	vadd.s32 s19, v12;
	(xrf0) =	vadd.scan.msk.s32 $0xffff, v11  }
0x79: {  	v10 =	vadd.s32 s15, v10;
	v6 =	vsel vm1, $0xFFFFFFFF, v0;
	v8 =	vadd.s32 s23, v56;
	v57, _, _ =	vpop (xrf0);
	(xrf0) =	vadd.scan.msk.s32 $0xffff, v13  }
0x7a: {  	v7 =	vsel vm4, $0xFFFFFFFF, v0;
	v6 =	vadd.s32 s17, v6;
	v58, _, _ =	vpop (xrf0);
	v8 =	vadd.s32 v57, v8  }
0x7b: {  	v7 =	vadd.s32 s16, v7;
	v12 =	vadd.s32 v58, v12;
	v14, _, _ =	vpop (xrf0);
	v8 =	vnsel vm5, $0x0, v8  }
0x7c: {  	(v2sf) =	vpush v58, $0xF;
	v12 =	vnsel vm6, $0x0, v12;
	v7 =	vadd.s32 v14, v7;
	v15, _, _ =	vpop (xrf0)  }
0x7d: {  	v8 =	vadd.s32 v12, v8;
	v7 =	vnsel vm4, $0x0, v7;
	v10 =	vadd.s32 v15, v10;
	v59, _, _ =	vpop (xrf0)  }
0x7e: {  	v7 =	vadd.s32 v7, v8;
	v60 =	vnsel vm3, $0x0, v10;
	v6 =	vadd.s32 v59, v6;
	v61, _, _ =	vpop (xrf0)  }
0x7f: {  	v7 =	vadd.s32 v60, v7;
	v6 =	vnsel vm1, $0x0, v6;
	v62 =	vadd.s32 v61, v9;
	v63, _, _ =	vpop (xrf0)  }
0x80: {  	v6 =	vadd.s32 v6, v7;
	v7 =	vnsel vm2, $0x0, v62;
	v5 =	vadd.s32 v63, v5  }
0x81: {  	(v2sf) =	vpush v57, $0xF;
	v6 =	vadd.s32 v7, v6;
	v5 =	vnsel vm0, $0x0, v5  }
0x82: {  	s21 =	simm.s32 $0x800;
	(v2sf) =	vpush v14, $0xF;
	v5 =	vadd.s32 v5, v6  }
0x83: {  	(v2sf) =	vpush v15, $0xF;
	v6 =	vld [tilespmem:s21+$0x0]  }
0x84: {  	(v2sf) =	vpush v59, $0xF  }
0x85: {  	(v2sf) =	vpush v61, $0xF  }
0x86: {  	v7 =	vor.u32 s23, v1;
	(v2sf) =	vpush v63, $0xF  }
0x87: {  	[tilespmem:v5+s11+$0x0] =	vst.idx.msk $0xffff, v7  }
0x88: {  	s22 =	simm.s32 $0x10;
	s25 =	simm.s32 $0x20;
	s24 =	simm.s32 $0x0;
	[tilespmem:v5+s12+$0x0] =	vst.idx.msk $0xffff, v6  }
.LBB2_7:
0x89: {  	p0 =	sne.s32 s25, $0x7F0;
	s23 =	sadd.s32 $0x10, s23  }
0x8a: {  	v5 =	vld [tilespmem:s23+$0x0];
	_ =	sdelay $0x4  }
0x8b: {  	vm2 =	veq.s32 v5, $0x0;
	s0 =	spop (v2sf)  }
0x8c: {  	vm5 =	veq.s32 v5, $0x1;
	v6 =	vsel vm2, $0x1, v0;
	s19 =	sadd.s32 s19, s0;
	s0 =	spop (v2sf)  }
0x8d: {  	vm6 =	veq.s32 v5, $0x2;
	vm1 =	veq.s32 v5, $0x3;
	v7 =	vsel vm5, $0x1, v0;
	(xrf0) =	vadd.scan.msk.s32 $0xffff, v6;
	s24 =	sadd.s32 s24, s0;
	s0 =	spop (v2sf)  }
0x8e: {  	vm3 =	veq.s32 v5, $0x4;
	vm0 =	veq.s32 v5, $0x6;
	v6 =	vsel vm6, $0x1, v0;
	(xrf0) =	vadd.scan.msk.s32 $0xffff, v7;
	s16 =	sadd.s32 s16, s0;
	s0 =	spop (v2sf)  }
0x8f: {  	vm4 =	veq.s32 v5, $0x5;
	v5 =	vsel vm0, $0xFFFFFFFF, v0;
	v7 =	vsel vm1, $0x1, v0;
	(xrf0) =	vadd.scan.msk.s32 $0xffff, v6;
	s15 =	sadd.s32 s15, s0;
	s0 =	spop (v2sf)  }
0x90: {  	v8 =	vsel vm3, $0x1, v0;
	v9 =	vsel vm4, $0xFFFFFFFF, v0;
	v6 =	vsel vm3, $0xFFFFFFFF, v0;
	(xrf0) =	vadd.scan.msk.s32 $0xffff, v7;
	s17 =	sadd.s32 s17, s0;
	s0 =	spop (v2sf)  }
0x91: {  	v10 =	vsel vm1, $0xFFFFFFFF, v0;
	v14 =	vsel vm4, $0x1, v0;
	v7 =	vsel vm6, $0xFFFFFFFF, v0;
	(xrf0) =	vadd.scan.msk.s32 $0xffff, v8;
	s18 =	sadd.s32 s18, s0;
	s0 =	spop (v2sf)  }
0x92: {  	v12 =	vsel vm5, $0xFFFFFFFF, v0;
	v15 =	vsel vm0, $0x1, v0;
	v8 =	vsel vm2, $0xFFFFFFFF, v0;
	(xrf0) =	vadd.scan.msk.s32 $0xffff, v14;
	s20 =	sadd.s32 s20, s0  }
0x93: {  	v6 =	vadd.s32 s17, v6;
	v9 =	vadd.s32 s18, v9;
	v5 =	vadd.s32 s20, v5;
	v11, _, _ =	vpop (xrf0);
	(xrf0) =	vadd.scan.msk.s32 $0xffff, v15  }
0x94: {  	v12 =	vadd.s32 s19, v12;
	v10 =	vadd.s32 s15, v10;
	v8 =	vadd.s32 s24, v8;
	v13, _, _ =	vpop (xrf0)  }
0x95: {  	v7 =	vadd.s32 s16, v7;
	v8 =	vadd.s32 v11, v8;
	v17 =	vadd.s32 v13, v12;
	v14, _, _ =	vpop (xrf0)  }
0x96: {  	v8 =	vnsel vm2, $0x0, v8;
	v16 =	vnsel vm5, $0x0, v17;
	v7 =	vadd.s32 v14, v7;
	v15, _, _ =	vpop (xrf0)  }
0x97: {  	v8 =	vadd.s32 v16, v8;
	v7 =	vnsel vm6, $0x0, v7;
	v16 =	vadd.s32 v15, v10;
	v12, _, _ =	vpop (xrf0)  }
0x98: {  	v7 =	vadd.s32 v7, v8;
	v8 =	vnsel vm1, $0x0, v16;
	v6 =	vadd.s32 v12, v6;
	v10, _, _ =	vpop (xrf0)  }
0x99: {  	v7 =	vadd.s32 v8, v7;
	v6 =	vnsel vm3, $0x0, v6;
	v8 =	vadd.s32 v10, v9;
	v9, _, _ =	vpop (xrf0)  }
0x9a: {  	v6 =	vadd.s32 v6, v7;
	v7 =	vnsel vm4, $0x0, v8;
	v5 =	vadd.s32 v9, v5  }
0x9b: {  	v6 =	vadd.s32 v7, v6;
	v5 =	vnsel vm0, $0x0, v5;
	(v2sf) =	vpush v13, $0xF  }
0x9c: {  	s21 =	sadd.s32 $0x10, s21;
	v5 =	vadd.s32 v5, v6;
	(v2sf) =	vpush v11, $0xF  }
0x9d: {  	v6 =	vld [tilespmem:s21+$0x0];
	(v2sf) =	vpush v14, $0xF  }
0x9e: {  	(v2sf) =	vpush v15, $0xF  }
.Ltmp3:
0x9f: {  	(v2sf) =	vpush v12, $0xF;
	(pc) =	sbr.rel @p0 .LBB2_7-.Ltmp3, $4  }
0xa0: {  	v7 =	vor.u32 s22, v1;
	s22 =	smov.u32 s25;
	(v2sf) =	vpush v10, $0xF  }
0xa1: {  	[tilespmem:v5+s11+$0x0] =	vst.idx.msk $0xffff, v7;
	(v2sf) =	vpush v9, $0xF  }
0xa2: {  	[tilespmem:v5+s12+$0x0] =	vst.idx.msk $0xffff, v6  }
0xa3: {  	s25 =	sadd.s32 $0x10, s25  }
0xa4: {  	s0 =	sadd.s32 $0x10, s23  }
0xa5: {  	v5 =	vld [tilespmem:s0+$0x0];
	_ =	sdelay $0x4  }
0xa6: {  	vm6 =	veq.s32 v5, $0x0  }
0xa7: {  	vm3 =	veq.s32 v5, $0x1;
	v6 =	vsel vm6, $0x1, v0  }
0xa8: {  	vm5 =	veq.s32 v5, $0x2;
	s23 =	spop (v2sf);
	v7 =	vsel vm3, $0x1, v0;
	(xrf0) =	vadd.scan.msk.s32 $0xffff, v6  }
0xa9: {  	vm4 =	veq.s32 v5, $0x3;
	s1 =	spop (v2sf);
	v6 =	vsel vm5, $0x1, v0;
	(xrf0) =	vadd.scan.msk.s32 $0xffff, v7  }
0xaa: {  	vm0 =	veq.s32 v5, $0x4;
	vm2 =	veq.s32 v5, $0x5;
	s25 =	spop (v2sf);
	v7 =	vsel vm4, $0x1, v0;
	(xrf0) =	vadd.scan.msk.s32 $0xffff, v6  }
0xab: {  	vm1 =	veq.s32 v5, $0x6;
	v5 =	vsel vm2, $0x1, v0;
	s26 =	spop (v2sf);
	v6 =	vsel vm0, $0x1, v0;
	(xrf0) =	vadd.scan.msk.s32 $0xffff, v7  }
0xac: {  	v8 =	vsel vm1, $0xFFFFFFFF, v0;
	v9 =	vsel vm6, $0xFFFFFFFF, v0;
	s29 =	spop (v2sf);
	(xrf0) =	vadd.scan.msk.s32 $0xffff, v6;
	v6 =	vsel vm1, $0x1, v0  }
0xad: {  	s0 =	sadd.s32 s19, s23;
	v11 =	vsel vm3, $0xFFFFFFFF, v0;
	v13 =	vsel vm5, $0xFFFFFFFF, v0;
	v62 =	vsel vm0, $0xFFFFFFFF, v0;
	s1 =	sadd.s32 s24, s1;
	s30 =	spop (v2sf)  }
0xae: {  	v15 =	vsel vm2, $0xFFFFFFFF, v0;
	v63 =	vsel vm4, $0xFFFFFFFF, v0;
	v11 =	vadd.s32 s0, v11;
	s28 =	sadd.s32 s16, s25;
	s31 =	spop (v2sf);
	s19 =	sadd.s32 s18, s30;
	(xrf0) =	vadd.scan.msk.s32 $0xffff, v5;
	v5, _, _ =	vpop (xrf0)  }
0xaf: {  	v9 =	vadd.s32 s1, v9;
	v13 =	vadd.s32 s28, v13;
	s0 =	sadd.s32 s20, s31;
	v15 =	vadd.s32 s19, v15;
	(xrf0) =	vadd.scan.msk.s32 $0xffff, v6;
	v6, _, _ =	vpop (xrf0)  }
0xb0: {  	s16 =	sadd.s32 s17, s29;
	v8 =	vadd.s32 s0, v8;
	(v2sf) =	vpush v6, $0xF;
	v6 =	vadd.s32 v6, v11  }
0xb1: {  	v7, _, _ =	vpop (xrf0);
	v11 =	vadd.s32 s16, v62;
	(v2sf) =	vpush v5, $0xF;
	v5 =	vadd.s32 v5, v9  }
0xb2: {  	s1 =	sadd.s32 s15, s26;
	v10, _, _ =	vpop (xrf0);
	v6 =	vnsel vm3, $0x0, v6;
	(v2sf) =	vpush v7, $0xF;
	v5 =	vnsel vm6, $0x0, v5  }
0xb3: {  	v7 =	vadd.s32 v7, v13;
	v13 =	vadd.s32 s1, v63;
	(v2sf) =	vpush v10, $0xF  }
0xb4: {  	v12, _, _ =	vpop (xrf0);
	v5 =	vadd.s32 v6, v5;
	v6 =	vnsel vm5, $0x0, v7;
	v7 =	vadd.s32 v10, v13  }
0xb5: {  	v14, _, _ =	vpop (xrf0);
	(v2sf) =	vpush v12, $0xF;
	v5 =	vadd.s32 v6, v5;
	v6 =	vnsel vm4, $0x0, v7  }
0xb6: {  	v61, _, _ =	vpop (xrf0);
	v7 =	vadd.s32 v12, v11;
	(v2sf) =	vpush v14, $0xF;
	v5 =	vadd.s32 v6, v5  }
0xb7: {  	v6 =	vnsel vm0, $0x0, v7;
	v7 =	vadd.s32 v14, v15;
	(v2sf) =	vpush v61, $0xF  }
0xb8: {  	v5 =	vadd.s32 v6, v5;
	v6 =	vnsel vm2, $0x0, v7;
	v7 =	vadd.s32 v61, v8  }
0xb9: {  	v5 =	vadd.s32 v6, v5;
	v6 =	vnsel vm1, $0x0, v7  }
0xba: {  	s23 =	sadd.s32 $0x10, s21;
	v5 =	vadd.s32 v6, v5  }
0xbb: {  	v6 =	vld [tilespmem:s23+$0x0];
	_ =	sdelay $0x2  }
0xbc: {  	v7 =	vor.u32 s22, v1  }
0xbd: {  	[tilespmem:v5+s11+$0x0] =	vst.idx.msk $0xffff, v7  }
0xbe: {  	[tilespmem:v5+s12+$0x0] =	vst.idx.msk $0xffff, v6;
	s24 =	spop (v2sf)  }
0xbf: {  	[hbm4b:s2+s8] =	stream.linear.scatter [tilespmem:s11], [sflag:$0x1], $0xE00, $0x38;
	[tilespmem:$0x2C80] =	vst v63  }
0xc0: {  	s25 =	spop (v2sf)  }
0xc1: {  	s26 =	spop (v2sf)  }
0xc2: {  	s28 =	spop (v2sf)  }
0xc3: {  	s29 =	spop (v2sf)  }
0xc4: {  	s30 =	spop (v2sf)  }
0xc5: {  	s31 =	spop (v2sf)  }
0xc6: {  	_ =	swait.ge [sflag:s9], $0xE00  }
0xc7: {  	[sflag:s9] =	ssyncset.done $0x0  }
0xc8: {  	[sflag:s9] =	ssyncadd.s32 $0xFFFFF200  }
0xc9: {  	[hbm4b:s5+s8] =	stream.linear.scatter [tilespmem:s12], [sflag:$0x1], $0xE00, $0x38;
	[tilespmem:$0x2C80] =	vst v63  }
0xca: {  	s14 =	sadd.s32 $0x1, s14;
	_ =	swait.ge [sflag:s9], $0xE00  }
0xcb: {  	p0 =	sne.s32 s14, s7;
	[sflag:s9] =	ssyncset.done $0x0  }
.Ltmp4:
0xcc: {  	[sflag:s9] =	ssyncadd.s32 $0xFFFFF200;
	(pc) =	sbr.rel @p0 .LBB2_2-.Ltmp4, $4  }
0xcd: {  	[hbm4b:s6+s8] =	stream.linear.scatter [tilespmem:s13], [sflag:$0x1], $0x80, $0x38;
	[tilespmem:$0x2C80] =	vst v63  }
0xce: {  	_ =	swait.ge [sflag:s9], $0x80  }
0xcf: {  	[sflag:s9] =	ssyncset.done $0x0  }
0xd0: {  	[sflag:s9] =	ssyncadd.s32 $0xFFFFFF80  }
.LBB2_9:
0xd1: {  	_ =	sfence.sel $0x180000  }
0xd2: {  	[bflag:$0x0] =	sbarrier.arrive $0xFFFF  }
0xd3: {  	_ =	strace $0x90000047  }
0xd4: {  	s0 =	stileid.u32;
	[bflag:$0x2] =	sbarrier.arrive $0xFFFF  }
0xd5: {  	p0 =	sne.s32 s0, $0x0;
	s0 =	rddreg [dreg:$0x2]  }
0xd6: {  	s0 =	sadd.s32 @!p0 $0x100000, s0  }
0xd7: {  	[sflag:s0] =	ssyncadd.tile.s32 @!p0 $0x1;
	_ =	shalt  }
.Lfunc_end2:
_tile_overlayer_lowered:
.L_overlay_start_2:
0xd8: {  	(tag) =	ssettag $0x2  }
0xd9: {  	s0 =	rddreg [dreg:$0x0];
	s2 =	stileid.u32  }
0xda: {  	s1 =	rddreg [dreg:$0x1];
	p0 =	sne.s32 s2, $0x0  }
0xdb: {  	s3 =	rddreg [dreg:$0x2];
	[bflag:$0x3] =	sbarrier.arrive $0xFFFF;
	s2 =	simm.s32 @!p0 $0x1C01  }
0xdc: {  	[timem:s3], [sflag:s2] =	dma.local @!p0 [hbm:s0], s1  }
0xdd: {  	s0 =	simm.s32 @!p0 $0x1  }
0xde: {  	_ =	swait.ge @!p0 [sflag:s0], s1  }
0xdf: {  	s1 =	ssub.s32 @!p0 $0x0, s1;
	[sflag:s0] =	ssyncset.done @!p0 $0x0  }
0xe0: {  	[sflag:s0] =	ssyncadd.s32 @!p0 s1  }
0xe1: {  	[bflag:$0x3] =	sbarrier.arrive $0xFFFF  }
0xe2: {  	_ =	shalt  }

</sc_bundles>
